<compile_context>
chip_gen: v7x
topology: tpu7x:2x2x1
jax: 0.10.2.dev20260603
libtpu: 0.0.44.dev20260713+nightly
codegen_flags: <defaults>
</compile_context>

<pallas_src>
import functools

import jax
import jax.numpy as jnp
from jax import lax
from jax.experimental import pallas as pl
from jax.experimental.pallas import tpu as pltpu
from jax.experimental.pallas import tpu_sc as plsc

_NUM_CLASS = 100000
_CTX_DIM = 512
_N_CLS_CTX = 4
_PREFIX_LEN = 5
_SUFFIX_LEN = 68
_BATCH = 1024
_SEQ = _PREFIX_LEN + _N_CLS_CTX + _SUFFIX_LEN
_CTX_START = _PREFIX_LEN
_CTX_END = _PREFIX_LEN + _N_CLS_CTX


@functools.lru_cache(maxsize=1)
def _make_sc_gather():
    info = plsc.get_sparse_core_info()
    nc, ns = info.num_cores, info.num_subcores
    nw = nc * ns
    b_per_w = _BATCH // nw
    mesh = plsc.VectorSubcoreMesh(core_axis_name="c", subcore_axis_name="s")

    @functools.partial(
        pl.kernel,
        mesh=mesh,
        out_type=jax.ShapeDtypeStruct((_N_CLS_CTX, _BATCH, _CTX_DIM),
                                      jnp.float32),
        scratch_types=[
            pltpu.VMEM((b_per_w,), jnp.int32),
            pltpu.VMEM((b_per_w, _N_CLS_CTX, _CTX_DIM), jnp.float32),
            pltpu.SemaphoreType.DMA,
        ],
    )
    def sc_gather(idx_hbm, table_hbm, out_hbm, idx_v, rows_v, sem):
        wid = lax.axis_index("s") * nc + lax.axis_index("c")
        base = wid * b_per_w
        pltpu.sync_copy(idx_hbm.at[pl.ds(base, b_per_w)], idx_v)
        pltpu.async_copy(table_hbm.at[idx_v], rows_v, sem).wait()
        for c in range(_N_CLS_CTX):
            pltpu.sync_copy(rows_v.at[:, c, :],
                            out_hbm.at[c, pl.ds(base, b_per_w), :])

    return sc_gather


_TMPL_LEN = _PREFIX_LEN + _SUFFIX_LEN


_NBUF = 8
_HALF = _BATCH // 2


def _row_copies(o_hbm, slabs, sems, buf, row):
    return [
        pltpu.make_async_copy(
            slabs.at[pl.ds(buf, 1), pl.ds(h * _HALF, _HALF)],
            o_hbm.at[pl.ds(row, 1), pl.ds(h * _HALF, _HALF)],
            sems.at[buf, h],
        )
        for h in range(2)
    ]


def _fill_body(t_ref, o_hbm, slabs, sems):
    i = pl.program_id(0)
    buf = lax.rem(i, _NBUF)

    def out_row(k):
        return jnp.where(k < _CTX_START, k, k + _N_CLS_CTX)

    @pl.when(i >= _NBUF)
    def _drain_oldest():
        for c in _row_copies(o_hbm, slabs, sems, buf, out_row(i - _NBUF)):
            c.wait()

    row = t_ref[pl.ds(i, 1), :]
    slabs[pl.ds(buf, 1)] = jnp.broadcast_to(row, (1, _BATCH, _CTX_DIM))
    for c in _row_copies(o_hbm, slabs, sems, buf, out_row(i)):
        c.start()

    @pl.when(i == _TMPL_LEN - 1)
    def _drain_tail():
        for k in range(_NBUF):
            jj = _TMPL_LEN - _NBUF + k
            b = jj % _NBUF
            for c in _row_copies(o_hbm, slabs, sems, b, out_row(jj)):
                c.wait()


_fill = pl.pallas_call(
    _fill_body,
    grid=(_TMPL_LEN,),
    in_specs=[
        pl.BlockSpec((_TMPL_LEN, _CTX_DIM), lambda i: (0, 0)),
    ],
    out_specs=pl.BlockSpec(memory_space=pl.ANY),
    out_shape=jax.ShapeDtypeStruct((_SEQ, _BATCH, _CTX_DIM), jnp.float32),
    scratch_shapes=[
        pltpu.VMEM((_NBUF, _BATCH, _CTX_DIM), jnp.float32),
        pltpu.SemaphoreType.DMA((_NBUF, 2)),
    ],
)


def _splice_body(o_in_ref, g_ref, o_ref):
    del o_in_ref
    o_ref[...] = g_ref[...]


_splice = pl.pallas_call(
    _splice_body,
    grid=(_N_CLS_CTX,),
    in_specs=[
        pl.BlockSpec(memory_space=pl.ANY),
        pl.BlockSpec((1, _BATCH, _CTX_DIM), lambda i: (i, 0, 0)),
    ],
    out_specs=pl.BlockSpec((1, _BATCH, _CTX_DIM),
                           lambda i: (i + _CTX_START, 0, 0)),
    out_shape=jax.ShapeDtypeStruct((_SEQ, _BATCH, _CTX_DIM), jnp.float32),
    input_output_aliases={0: 0},
)


def kernel(get_train, label, cls_ctx, token_prefix, token_suffix):
    gathered = _make_sc_gather()(label, cls_ctx)
    template = jnp.concatenate([token_prefix[0], token_suffix[0]], axis=0)
    filled = _fill(template)
    out_seq_major = _splice(filled, gathered)
    return out_seq_major.transpose(1, 0, 2)

# --- scband reference (transcript-rebuilt; emitter-appended) ---
"""Pipeline reference for scband-prompt-learner-42597485641859 (READ-ONLY COPY).

The authoritative reference and input builder live on the scoring server;
editing this copy changes nothing except your own understanding.
"""

import jax, jax.numpy as jnp
import numpy as np

NUM_CLASS = 100000
CTX_DIM = 512
N_CLS_CTX = 4
PREFIX_LEN = 5   # n_ctx + 1 = 4 + 1 (SOS + 'A photo of a')
SUFFIX_LEN = 68  # 77 - PREFIX_LEN - N_CLS_CTX
BATCH = 1024


def setup_inputs(seed: int = 0) -> dict:
    key = jax.random.key(seed)
    k1, k2, k3, k4 = jax.random.split(key, 4)
    label = jax.random.randint(k1, (BATCH,), 0, NUM_CLASS, dtype=jnp.int32)
    # learned per-class context vectors, init normal std=0.02 as in the module
    cls_ctx = 0.02 * jax.random.normal(k2, (NUM_CLASS, N_CLS_CTX, CTX_DIM), dtype=jnp.float32)
    # frozen token embeddings of the prompt template (buffers in the module)
    token_prefix = jax.random.normal(k3, (1, PREFIX_LEN, CTX_DIM), dtype=jnp.float32)
    token_suffix = jax.random.normal(k4, (1, SUFFIX_LEN, CTX_DIM), dtype=jnp.float32)
    return {
        "get_train": 1,
        "label": label,
        "cls_ctx": cls_ctx,
        "token_prefix": token_prefix,
        "token_suffix": token_suffix,
    }


def reference(get_train, label, cls_ctx, token_prefix, token_suffix):
    # cls_ctx = self.cls_ctx[label]  -> embedding-style gather
    gathered = jnp.take(cls_ctx, label, axis=0)  # [B, N_CLS_CTX, CTX_DIM]
    b = label.shape[0]
    prefix = jnp.broadcast_to(token_prefix, (b, PREFIX_LEN, CTX_DIM))
    suffix = jnp.broadcast_to(token_suffix, (b, SUFFIX_LEN, CTX_DIM))
    prompts = jnp.concatenate([prefix, gathered, suffix], axis=1)  # [B, 77, CTX_DIM]
    return prompts

if __name__ == "__main__":
    import jax
    _d = setup_inputs()
    print(jax.jit(kernel)(*tuple(_d.values())))

</pallas_src>

<mosaic_0001>
#map = affine_map<(d0, d1) -> (0)>
#map1 = affine_map<(d0, d1) -> (0, 0, 0)>
module attributes {stable_mosaic.version = 14 : i64} {
  func.func @sc_gather(%arg0: i32, %arg1: i32, %arg2: memref<1024xi32, #tpu.memory_space<hbm>>, %arg3: memref<100000x4x512xf32, #tpu.memory_space<hbm>>, %arg4: memref<4x1024x512xf32, #tpu.memory_space<hbm>>, %arg5: memref<32xi32, #tpu.memory_space<vmem>>, %arg6: memref<32x4x512xf32, #tpu.memory_space<vmem>>, %arg7: memref<!tpu.dma_semaphore, #tpu.memory_space<semaphore_mem>>) attributes {dimension_semantics = [#tpu.dimension_semantics<core_parallel>, #tpu.dimension_semantics<subcore_parallel>], iteration_bounds = array<i64: 2, 16>, scalar_prefetch = 0 : i64, scratch_operands = 3 : i64, tpu.core_type = #tpu.core_type<sc_vector_subcore>, window_params = [{transform_indices = #map}, {transform_indices = #map1}, {transform_indices = #map1}]} {
    %mul3A = arith.constant 2 : i32
    %mul3A_0 = arith.muli %arg1, %mul3A : i32
    %add3A = arith.addi %mul3A_0, %arg0 : i32
    %mul3A_1 = arith.constant 32 : i32
    %mul3A_2 = arith.muli %add3A, %mul3A_1 : i32
    "tpu.region"() ({
      %run_scoped3A_16 = tpu.sem_alloc : memref<!tpu.dma_semaphore, #tpu.memory_space<semaphore_mem>>
      %dma_start3A_17 = tpu.memref_slice %arg2[%mul3A_2] : memref<1024xi32, #tpu.memory_space<hbm>> -> memref<32xi32, #tpu.memory_space<hbm>>
      %dma_start3A_18 = tpu.memref_slice %arg2[%mul3A_2] : memref<1024xi32, #tpu.memory_space<hbm>> -> memref<32xi32, #tpu.memory_space<hbm>>
      tpu.enqueue_dma source(%dma_start3A_18 : memref<32xi32, #tpu.memory_space<hbm>>) target(%arg5 : memref<32xi32, #tpu.memory_space<vmem>>) target_semaphore(%run_scoped3A_16 : memref<!tpu.dma_semaphore, #tpu.memory_space<semaphore_mem>>)
      %dma_wait3A_19 = tpu.memref_slice %arg2[%mul3A_2] : memref<1024xi32, #tpu.memory_space<hbm>> -> memref<32xi32, #tpu.memory_space<hbm>>
      %dma_wait3A_20 = tpu.memref_slice %arg2[%mul3A_2] : memref<1024xi32, #tpu.memory_space<hbm>> -> memref<32xi32, #tpu.memory_space<hbm>>
      tpu.wait_dma2 semaphore(%run_scoped3A_16 : memref<!tpu.dma_semaphore, #tpu.memory_space<semaphore_mem>>) src(%dma_wait3A_20 : memref<32xi32, #tpu.memory_space<hbm>>) dst(%arg5 : memref<32xi32, #tpu.memory_space<vmem>>)
      tpu.yield
    }) : () -> ()
    %dma_start3A = arith.constant 0 : i32
    %dma_start3A_3 = arith.constant 0 : i32
    %dma_start3A_4 = arith.constant 0 : i32
    %dma_start3A_5 = tpu.memref_slice %arg3[%dma_start3A, %dma_start3A_3, %dma_start3A_4] : memref<100000x4x512xf32, #tpu.memory_space<hbm>> -> memref<100000x4x512xf32, #tpu.memory_space<hbm>>
    tpu.enqueue_indirect_dma source(%dma_start3A_5 : memref<100000x4x512xf32, #tpu.memory_space<hbm>>) target(%arg6 : memref<32x4x512xf32, #tpu.memory_space<vmem>>) offsets(%arg5 : memref<32xi32, #tpu.memory_space<vmem>>) semaphore(%arg7 : memref<!tpu.dma_semaphore, #tpu.memory_space<semaphore_mem>>)
    %dma_wait3A = arith.constant 0 : i32
    %dma_wait3A_6 = arith.constant 0 : i32
    %dma_wait3A_7 = arith.constant 0 : i32
    %dma_wait3A_8 = tpu.memref_slice %arg3[%dma_wait3A, %dma_wait3A_6, %dma_wait3A_7] : memref<100000x4x512xf32, #tpu.memory_space<hbm>> -> memref<100000x4x512xf32, #tpu.memory_space<hbm>>
    tpu.wait_indirect_dma semaphore(%arg7 : memref<!tpu.dma_semaphore, #tpu.memory_space<semaphore_mem>>) src(%dma_wait3A_8 : memref<100000x4x512xf32, #tpu.memory_space<hbm>>) dst(%arg6 : memref<32x4x512xf32, #tpu.memory_space<vmem>>)
    %run_scoped3A = arith.constant 0 : i32
    %run_scoped3A_9 = arith.constant 0 : i32
    "tpu.region"() ({
      %run_scoped3A_16 = tpu.sem_alloc : memref<!tpu.dma_semaphore, #tpu.memory_space<semaphore_mem>>
      %dma_start3A_17 = arith.constant 0 : i32
      %dma_start3A_18 = arith.constant 0 : i32
      %dma_start3A_19 = tpu.memref_slice %arg6[%dma_start3A_17, %run_scoped3A, %dma_start3A_18] : memref<32x4x512xf32, #tpu.memory_space<vmem>> -> memref<32x1x512xf32, #tpu.memory_space<vmem>>
      %dma_start3A_20 = tpu.memref_squeeze %dma_start3A_19 : memref<32x1x512xf32, #tpu.memory_space<vmem>> -> memref<32x512xf32, #tpu.memory_space<vmem>>
      %dma_start3A_21 = arith.constant 0 : i32
      %dma_start3A_22 = tpu.memref_slice %arg4[%run_scoped3A_9, %mul3A_2, %dma_start3A_21] : memref<4x1024x512xf32, #tpu.memory_space<hbm>> -> memref<1x32x512xf32, #tpu.memory_space<hbm>>
      %dma_start3A_23 = tpu.memref_squeeze %dma_start3A_22 : memref<1x32x512xf32, #tpu.memory_space<hbm>> -> memref<32x512xf32, #tpu.memory_space<hbm>>
      %dma_start3A_24 = arith.constant 0 : i32
      %dma_start3A_25 = tpu.memref_slice %arg4[%run_scoped3A_9, %mul3A_2, %dma_start3A_24] : memref<4x1024x512xf32, #tpu.memory_space<hbm>> -> memref<1x32x512xf32, #tpu.memory_space<hbm>>
      %dma_start3A_26 = tpu.memref_squeeze %dma_start3A_25 : memref<1x32x512xf32, #tpu.memory_space<hbm>> -> memref<32x512xf32, #tpu.memory_space<hbm>>
      %dma_start3A_27 = arith.constant 0 : i32
      %dma_start3A_28 = arith.constant 0 : i32
      %dma_start3A_29 = tpu.memref_slice %arg6[%dma_start3A_27, %run_scoped3A, %dma_start3A_28] : memref<32x4x512xf32, #tpu.memory_space<vmem>> -> memref<32x1x512xf32, #tpu.memory_space<vmem>>
      %dma_start3A_30 = tpu.memref_squeeze %dma_start3A_29 : memref<32x1x512xf32, #tpu.memory_space<vmem>> -> memref<32x512xf32, #tpu.memory_space<vmem>>
      tpu.enqueue_dma source(%dma_start3A_30 : memref<32x512xf32, #tpu.memory_space<vmem>>) target(%dma_start3A_26 : memref<32x512xf32, #tpu.memory_space<hbm>>) target_semaphore(%run_scoped3A_16 : memref<!tpu.dma_semaphore, #tpu.memory_space<semaphore_mem>>)
      %dma_wait3A_31 = arith.constant 0 : i32
      %dma_wait3A_32 = arith.constant 0 : i32
      %dma_wait3A_33 = tpu.memref_slice %arg6[%dma_wait3A_31, %run_scoped3A, %dma_wait3A_32] : memref<32x4x512xf32, #tpu.memory_space<vmem>> -> memref<32x1x512xf32, #tpu.memory_space<vmem>>
      %dma_wait3A_34 = tpu.memref_squeeze %dma_wait3A_33 : memref<32x1x512xf32, #tpu.memory_space<vmem>> -> memref<32x512xf32, #tpu.memory_space<vmem>>
      %dma_wait3A_35 = arith.constant 0 : i32
      %dma_wait3A_36 = tpu.memref_slice %arg4[%run_scoped3A_9, %mul3A_2, %dma_wait3A_35] : memref<4x1024x512xf32, #tpu.memory_space<hbm>> -> memref<1x32x512xf32, #tpu.memory_space<hbm>>
      %dma_wait3A_37 = tpu.memref_squeeze %dma_wait3A_36 : memref<1x32x512xf32, #tpu.memory_space<hbm>> -> memref<32x512xf32, #tpu.memory_space<hbm>>
      %dma_wait3A_38 = arith.constant 0 : i32
      %dma_wait3A_39 = tpu.memref_slice %arg4[%run_scoped3A_9, %mul3A_2, %dma_wait3A_38] : memref<4x1024x512xf32, #tpu.memory_space<hbm>> -> memref<1x32x512xf32, #tpu.memory_space<hbm>>
      %dma_wait3A_40 = tpu.memref_squeeze %dma_wait3A_39 : memref<1x32x512xf32, #tpu.memory_space<hbm>> -> memref<32x512xf32, #tpu.memory_space<hbm>>
      %dma_wait3A_41 = arith.constant 0 : i32
      %dma_wait3A_42 = arith.constant 0 : i32
      %dma_wait3A_43 = tpu.memref_slice %arg6[%dma_wait3A_41, %run_scoped3A, %dma_wait3A_42] : memref<32x4x512xf32, #tpu.memory_space<vmem>> -> memref<32x1x512xf32, #tpu.memory_space<vmem>>
      %dma_wait3A_44 = tpu.memref_squeeze %dma_wait3A_43 : memref<32x1x512xf32, #tpu.memory_space<vmem>> -> memref<32x512xf32, #tpu.memory_space<vmem>>
      tpu.wait_dma2 semaphore(%run_scoped3A_16 : memref<!tpu.dma_semaphore, #tpu.memory_space<semaphore_mem>>) src(%dma_wait3A_44 : memref<32x512xf32, #tpu.memory_space<vmem>>) dst(%dma_wait3A_40 : memref<32x512xf32, #tpu.memory_space<hbm>>)
      tpu.yield
    }) : () -> ()
    %run_scoped3A_10 = arith.constant 1 : i32
    %run_scoped3A_11 = arith.constant 1 : i32
    "tpu.region"() ({
      %run_scoped3A_16 = tpu.sem_alloc : memref<!tpu.dma_semaphore, #tpu.memory_space<semaphore_mem>>
      %dma_start3A_17 = arith.constant 0 : i32
      %dma_start3A_18 = arith.constant 0 : i32
      %dma_start3A_19 = tpu.memref_slice %arg6[%dma_start3A_17, %run_scoped3A_10, %dma_start3A_18] : memref<32x4x512xf32, #tpu.memory_space<vmem>> -> memref<32x1x512xf32, #tpu.memory_space<vmem>>
      %dma_start3A_20 = tpu.memref_squeeze %dma_start3A_19 : memref<32x1x512xf32, #tpu.memory_space<vmem>> -> memref<32x512xf32, #tpu.memory_space<vmem>>
      %dma_start3A_21 = arith.constant 0 : i32
      %dma_start3A_22 = tpu.memref_slice %arg4[%run_scoped3A_11, %mul3A_2, %dma_start3A_21] : memref<4x1024x512xf32, #tpu.memory_space<hbm>> -> memref<1x32x512xf32, #tpu.memory_space<hbm>>
      %dma_start3A_23 = tpu.memref_squeeze %dma_start3A_22 : memref<1x32x512xf32, #tpu.memory_space<hbm>> -> memref<32x512xf32, #tpu.memory_space<hbm>>
      %dma_start3A_24 = arith.constant 0 : i32
      %dma_start3A_25 = tpu.memref_slice %arg4[%run_scoped3A_11, %mul3A_2, %dma_start3A_24] : memref<4x1024x512xf32, #tpu.memory_space<hbm>> -> memref<1x32x512xf32, #tpu.memory_space<hbm>>
      %dma_start3A_26 = tpu.memref_squeeze %dma_start3A_25 : memref<1x32x512xf32, #tpu.memory_space<hbm>> -> memref<32x512xf32, #tpu.memory_space<hbm>>
      %dma_start3A_27 = arith.constant 0 : i32
      %dma_start3A_28 = arith.constant 0 : i32
      %dma_start3A_29 = tpu.memref_slice %arg6[%dma_start3A_27, %run_scoped3A_10, %dma_start3A_28] : memref<32x4x512xf32, #tpu.memory_space<vmem>> -> memref<32x1x512xf32, #tpu.memory_space<vmem>>
      %dma_start3A_30 = tpu.memref_squeeze %dma_start3A_29 : memref<32x1x512xf32, #tpu.memory_space<vmem>> -> memref<32x512xf32, #tpu.memory_space<vmem>>
      tpu.enqueue_dma source(%dma_start3A_30 : memref<32x512xf32, #tpu.memory_space<vmem>>) target(%dma_start3A_26 : memref<32x512xf32, #tpu.memory_space<hbm>>) target_semaphore(%run_scoped3A_16 : memref<!tpu.dma_semaphore, #tpu.memory_space<semaphore_mem>>)
      %dma_wait3A_31 = arith.constant 0 : i32
      %dma_wait3A_32 = arith.constant 0 : i32
      %dma_wait3A_33 = tpu.memref_slice %arg6[%dma_wait3A_31, %run_scoped3A_10, %dma_wait3A_32] : memref<32x4x512xf32, #tpu.memory_space<vmem>> -> memref<32x1x512xf32, #tpu.memory_space<vmem>>
      %dma_wait3A_34 = tpu.memref_squeeze %dma_wait3A_33 : memref<32x1x512xf32, #tpu.memory_space<vmem>> -> memref<32x512xf32, #tpu.memory_space<vmem>>
      %dma_wait3A_35 = arith.constant 0 : i32
      %dma_wait3A_36 = tpu.memref_slice %arg4[%run_scoped3A_11, %mul3A_2, %dma_wait3A_35] : memref<4x1024x512xf32, #tpu.memory_space<hbm>> -> memref<1x32x512xf32, #tpu.memory_space<hbm>>
      %dma_wait3A_37 = tpu.memref_squeeze %dma_wait3A_36 : memref<1x32x512xf32, #tpu.memory_space<hbm>> -> memref<32x512xf32, #tpu.memory_space<hbm>>
      %dma_wait3A_38 = arith.constant 0 : i32
      %dma_wait3A_39 = tpu.memref_slice %arg4[%run_scoped3A_11, %mul3A_2, %dma_wait3A_38] : memref<4x1024x512xf32, #tpu.memory_space<hbm>> -> memref<1x32x512xf32, #tpu.memory_space<hbm>>
      %dma_wait3A_40 = tpu.memref_squeeze %dma_wait3A_39 : memref<1x32x512xf32, #tpu.memory_space<hbm>> -> memref<32x512xf32, #tpu.memory_space<hbm>>
      %dma_wait3A_41 = arith.constant 0 : i32
      %dma_wait3A_42 = arith.constant 0 : i32
      %dma_wait3A_43 = tpu.memref_slice %arg6[%dma_wait3A_41, %run_scoped3A_10, %dma_wait3A_42] : memref<32x4x512xf32, #tpu.memory_space<vmem>> -> memref<32x1x512xf32, #tpu.memory_space<vmem>>
      %dma_wait3A_44 = tpu.memref_squeeze %dma_wait3A_43 : memref<32x1x512xf32, #tpu.memory_space<vmem>> -> memref<32x512xf32, #tpu.memory_space<vmem>>
      tpu.wait_dma2 semaphore(%run_scoped3A_16 : memref<!tpu.dma_semaphore, #tpu.memory_space<semaphore_mem>>) src(%dma_wait3A_44 : memref<32x512xf32, #tpu.memory_space<vmem>>) dst(%dma_wait3A_40 : memref<32x512xf32, #tpu.memory_space<hbm>>)
      tpu.yield
    }) : () -> ()
    %run_scoped3A_12 = arith.constant 2 : i32
    %run_scoped3A_13 = arith.constant 2 : i32
    "tpu.region"() ({
      %run_scoped3A_16 = tpu.sem_alloc : memref<!tpu.dma_semaphore, #tpu.memory_space<semaphore_mem>>
      %dma_start3A_17 = arith.constant 0 : i32
      %dma_start3A_18 = arith.constant 0 : i32
      %dma_start3A_19 = tpu.memref_slice %arg6[%dma_start3A_17, %run_scoped3A_12, %dma_start3A_18] : memref<32x4x512xf32, #tpu.memory_space<vmem>> -> memref<32x1x512xf32, #tpu.memory_space<vmem>>
      %dma_start3A_20 = tpu.memref_squeeze %dma_start3A_19 : memref<32x1x512xf32, #tpu.memory_space<vmem>> -> memref<32x512xf32, #tpu.memory_space<vmem>>
      %dma_start3A_21 = arith.constant 0 : i32
      %dma_start3A_22 = tpu.memref_slice %arg4[%run_scoped3A_13, %mul3A_2, %dma_start3A_21] : memref<4x1024x512xf32, #tpu.memory_space<hbm>> -> memref<1x32x512xf32, #tpu.memory_space<hbm>>
      %dma_start3A_23 = tpu.memref_squeeze %dma_start3A_22 : memref<1x32x512xf32, #tpu.memory_space<hbm>> -> memref<32x512xf32, #tpu.memory_space<hbm>>
      %dma_start3A_24 = arith.constant 0 : i32
      %dma_start3A_25 = tpu.memref_slice %arg4[%run_scoped3A_13, %mul3A_2, %dma_start3A_24] : memref<4x1024x512xf32, #tpu.memory_space<hbm>> -> memref<1x32x512xf32, #tpu.memory_space<hbm>>
      %dma_start3A_26 = tpu.memref_squeeze %dma_start3A_25 : memref<1x32x512xf32, #tpu.memory_space<hbm>> -> memref<32x512xf32, #tpu.memory_space<hbm>>
      %dma_start3A_27 = arith.constant 0 : i32
      %dma_start3A_28 = arith.constant 0 : i32
      %dma_start3A_29 = tpu.memref_slice %arg6[%dma_start3A_27, %run_scoped3A_12, %dma_start3A_28] : memref<32x4x512xf32, #tpu.memory_space<vmem>> -> memref<32x1x512xf32, #tpu.memory_space<vmem>>
      %dma_start3A_30 = tpu.memref_squeeze %dma_start3A_29 : memref<32x1x512xf32, #tpu.memory_space<vmem>> -> memref<32x512xf32, #tpu.memory_space<vmem>>
      tpu.enqueue_dma source(%dma_start3A_30 : memref<32x512xf32, #tpu.memory_space<vmem>>) target(%dma_start3A_26 : memref<32x512xf32, #tpu.memory_space<hbm>>) target_semaphore(%run_scoped3A_16 : memref<!tpu.dma_semaphore, #tpu.memory_space<semaphore_mem>>)
      %dma_wait3A_31 = arith.constant 0 : i32
      %dma_wait3A_32 = arith.constant 0 : i32
      %dma_wait3A_33 = tpu.memref_slice %arg6[%dma_wait3A_31, %run_scoped3A_12, %dma_wait3A_32] : memref<32x4x512xf32, #tpu.memory_space<vmem>> -> memref<32x1x512xf32, #tpu.memory_space<vmem>>
      %dma_wait3A_34 = tpu.memref_squeeze %dma_wait3A_33 : memref<32x1x512xf32, #tpu.memory_space<vmem>> -> memref<32x512xf32, #tpu.memory_space<vmem>>
      %dma_wait3A_35 = arith.constant 0 : i32
      %dma_wait3A_36 = tpu.memref_slice %arg4[%run_scoped3A_13, %mul3A_2, %dma_wait3A_35] : memref<4x1024x512xf32, #tpu.memory_space<hbm>> -> memref<1x32x512xf32, #tpu.memory_space<hbm>>
      %dma_wait3A_37 = tpu.memref_squeeze %dma_wait3A_36 : memref<1x32x512xf32, #tpu.memory_space<hbm>> -> memref<32x512xf32, #tpu.memory_space<hbm>>
      %dma_wait3A_38 = arith.constant 0 : i32
      %dma_wait3A_39 = tpu.memref_slice %arg4[%run_scoped3A_13, %mul3A_2, %dma_wait3A_38] : memref<4x1024x512xf32, #tpu.memory_space<hbm>> -> memref<1x32x512xf32, #tpu.memory_space<hbm>>
      %dma_wait3A_40 = tpu.memref_squeeze %dma_wait3A_39 : memref<1x32x512xf32, #tpu.memory_space<hbm>> -> memref<32x512xf32, #tpu.memory_space<hbm>>
      %dma_wait3A_41 = arith.constant 0 : i32
      %dma_wait3A_42 = arith.constant 0 : i32
      %dma_wait3A_43 = tpu.memref_slice %arg6[%dma_wait3A_41, %run_scoped3A_12, %dma_wait3A_42] : memref<32x4x512xf32, #tpu.memory_space<vmem>> -> memref<32x1x512xf32, #tpu.memory_space<vmem>>
      %dma_wait3A_44 = tpu.memref_squeeze %dma_wait3A_43 : memref<32x1x512xf32, #tpu.memory_space<vmem>> -> memref<32x512xf32, #tpu.memory_space<vmem>>
      tpu.wait_dma2 semaphore(%run_scoped3A_16 : memref<!tpu.dma_semaphore, #tpu.memory_space<semaphore_mem>>) src(%dma_wait3A_44 : memref<32x512xf32, #tpu.memory_space<vmem>>) dst(%dma_wait3A_40 : memref<32x512xf32, #tpu.memory_space<hbm>>)
      tpu.yield
    }) : () -> ()
    %run_scoped3A_14 = arith.constant 3 : i32
    %run_scoped3A_15 = arith.constant 3 : i32
    "tpu.region"() ({
      %run_scoped3A_16 = tpu.sem_alloc : memref<!tpu.dma_semaphore, #tpu.memory_space<semaphore_mem>>
      %dma_start3A_17 = arith.constant 0 : i32
      %dma_start3A_18 = arith.constant 0 : i32
      %dma_start3A_19 = tpu.memref_slice %arg6[%dma_start3A_17, %run_scoped3A_14, %dma_start3A_18] : memref<32x4x512xf32, #tpu.memory_space<vmem>> -> memref<32x1x512xf32, #tpu.memory_space<vmem>>
      %dma_start3A_20 = tpu.memref_squeeze %dma_start3A_19 : memref<32x1x512xf32, #tpu.memory_space<vmem>> -> memref<32x512xf32, #tpu.memory_space<vmem>>
      %dma_start3A_21 = arith.constant 0 : i32
      %dma_start3A_22 = tpu.memref_slice %arg4[%run_scoped3A_15, %mul3A_2, %dma_start3A_21] : memref<4x1024x512xf32, #tpu.memory_space<hbm>> -> memref<1x32x512xf32, #tpu.memory_space<hbm>>
      %dma_start3A_23 = tpu.memref_squeeze %dma_start3A_22 : memref<1x32x512xf32, #tpu.memory_space<hbm>> -> memref<32x512xf32, #tpu.memory_space<hbm>>
      %dma_start3A_24 = arith.constant 0 : i32
      %dma_start3A_25 = tpu.memref_slice %arg4[%run_scoped3A_15, %mul3A_2, %dma_start3A_24] : memref<4x1024x512xf32, #tpu.memory_space<hbm>> -> memref<1x32x512xf32, #tpu.memory_space<hbm>>
      %dma_start3A_26 = tpu.memref_squeeze %dma_start3A_25 : memref<1x32x512xf32, #tpu.memory_space<hbm>> -> memref<32x512xf32, #tpu.memory_space<hbm>>
      %dma_start3A_27 = arith.constant 0 : i32
      %dma_start3A_28 = arith.constant 0 : i32
      %dma_start3A_29 = tpu.memref_slice %arg6[%dma_start3A_27, %run_scoped3A_14, %dma_start3A_28] : memref<32x4x512xf32, #tpu.memory_space<vmem>> -> memref<32x1x512xf32, #tpu.memory_space<vmem>>
      %dma_start3A_30 = tpu.memref_squeeze %dma_start3A_29 : memref<32x1x512xf32, #tpu.memory_space<vmem>> -> memref<32x512xf32, #tpu.memory_space<vmem>>
      tpu.enqueue_dma source(%dma_start3A_30 : memref<32x512xf32, #tpu.memory_space<vmem>>) target(%dma_start3A_26 : memref<32x512xf32, #tpu.memory_space<hbm>>) target_semaphore(%run_scoped3A_16 : memref<!tpu.dma_semaphore, #tpu.memory_space<semaphore_mem>>)
      %dma_wait3A_31 = arith.constant 0 : i32
      %dma_wait3A_32 = arith.constant 0 : i32
      %dma_wait3A_33 = tpu.memref_slice %arg6[%dma_wait3A_31, %run_scoped3A_14, %dma_wait3A_32] : memref<32x4x512xf32, #tpu.memory_space<vmem>> -> memref<32x1x512xf32, #tpu.memory_space<vmem>>
      %dma_wait3A_34 = tpu.memref_squeeze %dma_wait3A_33 : memref<32x1x512xf32, #tpu.memory_space<vmem>> -> memref<32x512xf32, #tpu.memory_space<vmem>>
      %dma_wait3A_35 = arith.constant 0 : i32
      %dma_wait3A_36 = tpu.memref_slice %arg4[%run_scoped3A_15, %mul3A_2, %dma_wait3A_35] : memref<4x1024x512xf32, #tpu.memory_space<hbm>> -> memref<1x32x512xf32, #tpu.memory_space<hbm>>
      %dma_wait3A_37 = tpu.memref_squeeze %dma_wait3A_36 : memref<1x32x512xf32, #tpu.memory_space<hbm>> -> memref<32x512xf32, #tpu.memory_space<hbm>>
      %dma_wait3A_38 = arith.constant 0 : i32
      %dma_wait3A_39 = tpu.memref_slice %arg4[%run_scoped3A_15, %mul3A_2, %dma_wait3A_38] : memref<4x1024x512xf32, #tpu.memory_space<hbm>> -> memref<1x32x512xf32, #tpu.memory_space<hbm>>
      %dma_wait3A_40 = tpu.memref_squeeze %dma_wait3A_39 : memref<1x32x512xf32, #tpu.memory_space<hbm>> -> memref<32x512xf32, #tpu.memory_space<hbm>>
      %dma_wait3A_41 = arith.constant 0 : i32
      %dma_wait3A_42 = arith.constant 0 : i32
      %dma_wait3A_43 = tpu.memref_slice %arg6[%dma_wait3A_41, %run_scoped3A_14, %dma_wait3A_42] : memref<32x4x512xf32, #tpu.memory_space<vmem>> -> memref<32x1x512xf32, #tpu.memory_space<vmem>>
      %dma_wait3A_44 = tpu.memref_squeeze %dma_wait3A_43 : memref<32x1x512xf32, #tpu.memory_space<vmem>> -> memref<32x512xf32, #tpu.memory_space<vmem>>
      tpu.wait_dma2 semaphore(%run_scoped3A_16 : memref<!tpu.dma_semaphore, #tpu.memory_space<semaphore_mem>>) src(%dma_wait3A_44 : memref<32x512xf32, #tpu.memory_space<vmem>>) dst(%dma_wait3A_40 : memref<32x512xf32, #tpu.memory_space<hbm>>)
      tpu.yield
    }) : () -> ()
    return
  }
}

module attributes {stable_mosaic.version = 14 : i64} {
  func.func @_fill_body(%arg0: i32, %arg1: memref<73x512xf32, #tpu.memory_space<vmem>>, %arg2: memref<77x1024x512xf32, #tpu.memory_space<any>>, %arg3: memref<8x1024x512xf32, #tpu.memory_space<vmem>>, %arg4: memref<8x2x!tpu.dma_semaphore, #tpu.memory_space<semaphore_mem>>) attributes {dimension_semantics = [#tpu.dimension_semantics<arbitrary>], iteration_bounds = array<i64: 73>, scalar_prefetch = 0 : i64, scratch_operands = 2 : i64, tpu.core_type = #tpu.core_type<tc>, window_params = [{pipeline_mode = #tpu.pipeline_mode<synchronous>, transform_indices = @transform_0, window_bounds = array<i64: 73, 512>}, {}]} {
    %rem3A = arith.constant 8 : i32
    %rem3A_0 = arith.remsi %arg0, %rem3A : i32
    %ge3A = arith.constant 8 : i32
    %ge3A_1 = arith.cmpi sge, %arg0, %ge3A : i32
    %convert_element_type3A = arith.extui %ge3A_1 : i1 to i32
    %cond3A = arith.constant 0 : i32
    %cond3A_2 = arith.cmpi ne, %convert_element_type3A, %cond3A : i32
    scf.if %cond3A_2 {
      %sub3A = arith.constant 8 : i32
      %sub3A_32 = arith.subi %arg0, %sub3A : i32
      %lt3A_33 = arith.constant 5 : i32
      %lt3A_34 = arith.cmpi slt, %sub3A_32, %lt3A_33 : i32
      %add3A_35 = arith.constant 4 : i32
      %add3A_36 = arith.addi %sub3A_32, %add3A_35 : i32
      %select_n3A_37 = arith.select %lt3A_34, %sub3A_32, %add3A_36 : i32
      %dma_wait3A = arith.constant 0 : i32
      %dma_wait3A_38 = tpu.memref_slice %arg4[%rem3A_0, %dma_wait3A] : memref<8x2x!tpu.dma_semaphore, #tpu.memory_space<semaphore_mem>> -> memref<1x1x!tpu.dma_semaphore, #tpu.memory_space<semaphore_mem>>
      %dma_wait3A_39 = tpu.memref_squeeze %dma_wait3A_38 : memref<1x1x!tpu.dma_semaphore, #tpu.memory_space<semaphore_mem>> -> memref<!tpu.dma_semaphore, #tpu.memory_space<semaphore_mem>>
      %dma_wait3A_40 = arith.constant 0 : i32
      %dma_wait3A_41 = arith.constant 0 : i32
      %dma_wait3A_42 = tpu.memref_slice %arg2[%select_n3A_37, %dma_wait3A_40, %dma_wait3A_41] : memref<77x1024x512xf32, #tpu.memory_space<any>> -> memref<1x512x512xf32, #tpu.memory_space<any>>
      %dma_wait3A_43 = arith.constant 0 : i32
      %dma_wait3A_44 = arith.constant 0 : i32
      %dma_wait3A_45 = tpu.memref_slice %arg3[%rem3A_0, %dma_wait3A_43, %dma_wait3A_44] : memref<8x1024x512xf32, #tpu.memory_space<vmem>> -> memref<1x512x512xf32, #tpu.memory_space<vmem>>
      tpu.wait_dma2 semaphore(%dma_wait3A_39 : memref<!tpu.dma_semaphore, #tpu.memory_space<semaphore_mem>>) src(%dma_wait3A_45 : memref<1x512x512xf32, #tpu.memory_space<vmem>>) dst(%dma_wait3A_42 : memref<1x512x512xf32, #tpu.memory_space<any>>)
      %dma_wait3A_46 = arith.constant 1 : i32
      %dma_wait3A_47 = tpu.memref_slice %arg4[%rem3A_0, %dma_wait3A_46] : memref<8x2x!tpu.dma_semaphore, #tpu.memory_space<semaphore_mem>> -> memref<1x1x!tpu.dma_semaphore, #tpu.memory_space<semaphore_mem>>
      %dma_wait3A_48 = tpu.memref_squeeze %dma_wait3A_47 : memref<1x1x!tpu.dma_semaphore, #tpu.memory_space<semaphore_mem>> -> memref<!tpu.dma_semaphore, #tpu.memory_space<semaphore_mem>>
      %dma_wait3A_49 = arith.constant 512 : i32
      %dma_wait3A_50 = arith.constant 0 : i32
      %dma_wait3A_51 = tpu.memref_slice %arg2[%select_n3A_37, %dma_wait3A_49, %dma_wait3A_50] : memref<77x1024x512xf32, #tpu.memory_space<any>> -> memref<1x512x512xf32, #tpu.memory_space<any>>
      %dma_wait3A_52 = arith.constant 512 : i32
      %dma_wait3A_53 = arith.constant 0 : i32
      %dma_wait3A_54 = tpu.memref_slice %arg3[%rem3A_0, %dma_wait3A_52, %dma_wait3A_53] : memref<8x1024x512xf32, #tpu.memory_space<vmem>> -> memref<1x512x512xf32, #tpu.memory_space<vmem>>
      tpu.wait_dma2 semaphore(%dma_wait3A_48 : memref<!tpu.dma_semaphore, #tpu.memory_space<semaphore_mem>>) src(%dma_wait3A_54 : memref<1x512x512xf32, #tpu.memory_space<vmem>>) dst(%dma_wait3A_51 : memref<1x512x512xf32, #tpu.memory_space<any>>)
    } else {
    }
    %get3A = arith.index_cast %arg0 : i32 to index
    %get3A_3 = arith.constant 0 : index
    %get3A_4 = vector.load %arg1[%get3A, %get3A_3] : memref<73x512xf32, #tpu.memory_space<vmem>>, vector<1x512xf32>
    %broadcast_in_dim3A = vector.shape_cast %get3A_4 : vector<1x512xf32> to vector<1x1x512xf32>
    %broadcast_in_dim3A_5 = vector.broadcast %broadcast_in_dim3A : vector<1x1x512xf32> to vector<1x1024x512xf32>
    %swap3A = arith.index_cast %rem3A_0 : i32 to index
    %swap3A_6 = arith.constant 0 : index
    %swap3A_7 = arith.constant 0 : index
    %swap3A_8 = vector.load %arg3[%swap3A, %swap3A_6, %swap3A_7] : memref<8x1024x512xf32, #tpu.memory_space<vmem>>, vector<1x1024x512xf32>
    tpu.vector_store %arg3[%swap3A, %swap3A_6, %swap3A_7], %broadcast_in_dim3A_5 {strides = array<i32>} : memref<8x1024x512xf32, #tpu.memory_space<vmem>>, vector<1x1024x512xf32>,
    %lt3A = arith.constant 5 : i32
    %lt3A_9 = arith.cmpi slt, %arg0, %lt3A : i32
    %add3A = arith.constant 4 : i32
    %add3A_10 = arith.addi %arg0, %add3A : i32
    %select_n3A = arith.select %lt3A_9, %arg0, %add3A_10 : i32
    %dma_start3A = arith.constant 0 : i32
    %dma_start3A_11 = tpu.memref_slice %arg4[%rem3A_0, %dma_start3A] : memref<8x2x!tpu.dma_semaphore, #tpu.memory_space<semaphore_mem>> -> memref<1x1x!tpu.dma_semaphore, #tpu.memory_space<semaphore_mem>>
    %dma_start3A_12 = tpu.memref_squeeze %dma_start3A_11 : memref<1x1x!tpu.dma_semaphore, #tpu.memory_space<semaphore_mem>> -> memref<!tpu.dma_semaphore, #tpu.memory_space<semaphore_mem>>
    %dma_start3A_13 = arith.constant 0 : i32
    %dma_start3A_14 = arith.constant 0 : i32
    %dma_start3A_15 = tpu.memref_slice %arg2[%select_n3A, %dma_start3A_13, %dma_start3A_14] : memref<77x1024x512xf32, #tpu.memory_space<any>> -> memref<1x512x512xf32, #tpu.memory_space<any>>
    %dma_start3A_16 = arith.constant 0 : i32
    %dma_start3A_17 = arith.constant 0 : i32
    %dma_start3A_18 = tpu.memref_slice %arg3[%rem3A_0, %dma_start3A_16, %dma_start3A_17] : memref<8x1024x512xf32, #tpu.memory_space<vmem>> -> memref<1x512x512xf32, #tpu.memory_space<vmem>>
    tpu.enqueue_dma source(%dma_start3A_18 : memref<1x512x512xf32, #tpu.memory_space<vmem>>) target(%dma_start3A_15 : memref<1x512x512xf32, #tpu.memory_space<any>>) target_semaphore(%dma_start3A_12 : memref<!tpu.dma_semaphore, #tpu.memory_space<semaphore_mem>>)
    %dma_start3A_19 = arith.constant 1 : i32
    %dma_start3A_20 = tpu.memref_slice %arg4[%rem3A_0, %dma_start3A_19] : memref<8x2x!tpu.dma_semaphore, #tpu.memory_space<semaphore_mem>> -> memref<1x1x!tpu.dma_semaphore, #tpu.memory_space<semaphore_mem>>
    %dma_start3A_21 = tpu.memref_squeeze %dma_start3A_20 : memref<1x1x!tpu.dma_semaphore, #tpu.memory_space<semaphore_mem>> -> memref<!tpu.dma_semaphore, #tpu.memory_space<semaphore_mem>>
    %dma_start3A_22 = arith.constant 512 : i32
    %dma_start3A_23 = arith.constant 0 : i32
    %dma_start3A_24 = tpu.memref_slice %arg2[%select_n3A, %dma_start3A_22, %dma_start3A_23] : memref<77x1024x512xf32, #tpu.memory_space<any>> -> memref<1x512x512xf32, #tpu.memory_space<any>>
    %dma_start3A_25 = arith.constant 512 : i32
    %dma_start3A_26 = arith.constant 0 : i32
    %dma_start3A_27 = tpu.memref_slice %arg3[%rem3A_0, %dma_start3A_25, %dma_start3A_26] : memref<8x1024x512xf32, #tpu.memory_space<vmem>> -> memref<1x512x512xf32, #tpu.memory_space<vmem>>
    tpu.enqueue_dma source(%dma_start3A_27 : memref<1x512x512xf32, #tpu.memory_space<vmem>>) target(%dma_start3A_24 : memref<1x512x512xf32, #tpu.memory_space<any>>) target_semaphore(%dma_start3A_21 : memref<!tpu.dma_semaphore, #tpu.memory_space<semaphore_mem>>)
    %eq3A = arith.constant 72 : i32
    %eq3A_28 = arith.cmpi eq, %arg0, %eq3A : i32
    %convert_element_type3A_29 = arith.extui %eq3A_28 : i1 to i32
    %cond3A_30 = arith.constant 0 : i32
    %cond3A_31 = arith.cmpi ne, %convert_element_type3A_29, %cond3A_30 : i32
    scf.if %cond3A_31 {
      %jit3A = arith.constant false
      %jit3A_32 = arith.constant 65 : i32
      %jit3A_33 = arith.constant 69 : i32
      %select_n3A_34 = arith.select %jit3A, %jit3A_32, %jit3A_33 : i32
      %dma_wait3A = arith.constant 1 : i32
      %dma_wait3A_35 = arith.constant 0 : i32
      %dma_wait3A_36 = tpu.memref_slice %arg4[%dma_wait3A, %dma_wait3A_35] : memref<8x2x!tpu.dma_semaphore, #tpu.memory_space<semaphore_mem>> -> memref<1x1x!tpu.dma_semaphore, #tpu.memory_space<semaphore_mem>>
      %dma_wait3A_37 = tpu.memref_squeeze %dma_wait3A_36 : memref<1x1x!tpu.dma_semaphore, #tpu.memory_space<semaphore_mem>> -> memref<!tpu.dma_semaphore, #tpu.memory_space<semaphore_mem>>
      %dma_wait3A_38 = arith.constant 0 : i32
      %dma_wait3A_39 = arith.constant 0 : i32
      %dma_wait3A_40 = tpu.memref_slice %arg2[%select_n3A_34, %dma_wait3A_38, %dma_wait3A_39] : memref<77x1024x512xf32, #tpu.memory_space<any>> -> memref<1x512x512xf32, #tpu.memory_space<any>>
      %dma_wait3A_41 = arith.constant 1 : i32
      %dma_wait3A_42 = arith.constant 0 : i32
      %dma_wait3A_43 = arith.constant 0 : i32
      %dma_wait3A_44 = tpu.memref_slice %arg3[%dma_wait3A_41, %dma_wait3A_42, %dma_wait3A_43] : memref<8x1024x512xf32, #tpu.memory_space<vmem>> -> memref<1x512x512xf32, #tpu.memory_space<vmem>>
      tpu.wait_dma2 semaphore(%dma_wait3A_37 : memref<!tpu.dma_semaphore, #tpu.memory_space<semaphore_mem>>) src(%dma_wait3A_44 : memref<1x512x512xf32, #tpu.memory_space<vmem>>) dst(%dma_wait3A_40 : memref<1x512x512xf32, #tpu.memory_space<any>>)
      %dma_wait3A_45 = arith.constant 1 : i32
      %dma_wait3A_46 = arith.constant 1 : i32
      %dma_wait3A_47 = tpu.memref_slice %arg4[%dma_wait3A_45, %dma_wait3A_46] : memref<8x2x!tpu.dma_semaphore, #tpu.memory_space<semaphore_mem>> -> memref<1x1x!tpu.dma_semaphore, #tpu.memory_space<semaphore_mem>>
      %dma_wait3A_48 = tpu.memref_squeeze %dma_wait3A_47 : memref<1x1x!tpu.dma_semaphore, #tpu.memory_space<semaphore_mem>> -> memref<!tpu.dma_semaphore, #tpu.memory_space<semaphore_mem>>
      %dma_wait3A_49 = arith.constant 512 : i32
      %dma_wait3A_50 = arith.constant 0 : i32
      %dma_wait3A_51 = tpu.memref_slice %arg2[%select_n3A_34, %dma_wait3A_49, %dma_wait3A_50] : memref<77x1024x512xf32, #tpu.memory_space<any>> -> memref<1x512x512xf32, #tpu.memory_space<any>>
      %dma_wait3A_52 = arith.constant 1 : i32
      %dma_wait3A_53 = arith.constant 512 : i32
      %dma_wait3A_54 = arith.constant 0 : i32
      %dma_wait3A_55 = tpu.memref_slice %arg3[%dma_wait3A_52, %dma_wait3A_53, %dma_wait3A_54] : memref<8x1024x512xf32, #tpu.memory_space<vmem>> -> memref<1x512x512xf32, #tpu.memory_space<vmem>>
      tpu.wait_dma2 semaphore(%dma_wait3A_48 : memref<!tpu.dma_semaphore, #tpu.memory_space<semaphore_mem>>) src(%dma_wait3A_55 : memref<1x512x512xf32, #tpu.memory_space<vmem>>) dst(%dma_wait3A_51 : memref<1x512x512xf32, #tpu.memory_space<any>>)
      %jit3A_56 = arith.constant false
      %jit3A_57 = arith.constant 66 : i32
      %jit3A_58 = arith.constant 70 : i32
      %select_n3A_59 = arith.select %jit3A_56, %jit3A_57, %jit3A_58 : i32
      %dma_wait3A_60 = arith.constant 2 : i32
      %dma_wait3A_61 = arith.constant 0 : i32
      %dma_wait3A_62 = tpu.memref_slice %arg4[%dma_wait3A_60, %dma_wait3A_61] : memref<8x2x!tpu.dma_semaphore, #tpu.memory_space<semaphore_mem>> -> memref<1x1x!tpu.dma_semaphore, #tpu.memory_space<semaphore_mem>>
      %dma_wait3A_63 = tpu.memref_squeeze %dma_wait3A_62 : memref<1x1x!tpu.dma_semaphore, #tpu.memory_space<semaphore_mem>> -> memref<!tpu.dma_semaphore, #tpu.memory_space<semaphore_mem>>
      %dma_wait3A_64 = arith.constant 0 : i32
      %dma_wait3A_65 = arith.constant 0 : i32
      %dma_wait3A_66 = tpu.memref_slice %arg2[%select_n3A_59, %dma_wait3A_64, %dma_wait3A_65] : memref<77x1024x512xf32, #tpu.memory_space<any>> -> memref<1x512x512xf32, #tpu.memory_space<any>>
      %dma_wait3A_67 = arith.constant 2 : i32
      %dma_wait3A_68 = arith.constant 0 : i32
      %dma_wait3A_69 = arith.constant 0 : i32
      %dma_wait3A_70 = tpu.memref_slice %arg3[%dma_wait3A_67, %dma_wait3A_68, %dma_wait3A_69] : memref<8x1024x512xf32, #tpu.memory_space<vmem>> -> memref<1x512x512xf32, #tpu.memory_space<vmem>>
      tpu.wait_dma2 semaphore(%dma_wait3A_63 : memref<!tpu.dma_semaphore, #tpu.memory_space<semaphore_mem>>) src(%dma_wait3A_70 : memref<1x512x512xf32, #tpu.memory_space<vmem>>) dst(%dma_wait3A_66 : memref<1x512x512xf32, #tpu.memory_space<any>>)
      %dma_wait3A_71 = arith.constant 2 : i32
      %dma_wait3A_72 = arith.constant 1 : i32
      %dma_wait3A_73 = tpu.memref_slice %arg4[%dma_wait3A_71, %dma_wait3A_72] : memref<8x2x!tpu.dma_semaphore, #tpu.memory_space<semaphore_mem>> -> memref<1x1x!tpu.dma_semaphore, #tpu.memory_space<semaphore_mem>>
      %dma_wait3A_74 = tpu.memref_squeeze %dma_wait3A_73 : memref<1x1x!tpu.dma_semaphore, #tpu.memory_space<semaphore_mem>> -> memref<!tpu.dma_semaphore, #tpu.memory_space<semaphore_mem>>
      %dma_wait3A_75 = arith.constant 512 : i32
      %dma_wait3A_76 = arith.constant 0 : i32
      %dma_wait3A_77 = tpu.memref_slice %arg2[%select_n3A_59, %dma_wait3A_75, %dma_wait3A_76] : memref<77x1024x512xf32, #tpu.memory_space<any>> -> memref<1x512x512xf32, #tpu.memory_space<any>>
      %dma_wait3A_78 = arith.constant 2 : i32
      %dma_wait3A_79 = arith.constant 512 : i32
      %dma_wait3A_80 = arith.constant 0 : i32
      %dma_wait3A_81 = tpu.memref_slice %arg3[%dma_wait3A_78, %dma_wait3A_79, %dma_wait3A_80] : memref<8x1024x512xf32, #tpu.memory_space<vmem>> -> memref<1x512x512xf32, #tpu.memory_space<vmem>>
      tpu.wait_dma2 semaphore(%dma_wait3A_74 : memref<!tpu.dma_semaphore, #tpu.memory_space<semaphore_mem>>) src(%dma_wait3A_81 : memref<1x512x512xf32, #tpu.memory_space<vmem>>) dst(%dma_wait3A_77 : memref<1x512x512xf32, #tpu.memory_space<any>>)
      %jit3A_82 = arith.constant false
      %jit3A_83 = arith.constant 67 : i32
      %jit3A_84 = arith.constant 71 : i32
      %select_n3A_85 = arith.select %jit3A_82, %jit3A_83, %jit3A_84 : i32
      %dma_wait3A_86 = arith.constant 3 : i32
      %dma_wait3A_87 = arith.constant 0 : i32
      %dma_wait3A_88 = tpu.memref_slice %arg4[%dma_wait3A_86, %dma_wait3A_87] : memref<8x2x!tpu.dma_semaphore, #tpu.memory_space<semaphore_mem>> -> memref<1x1x!tpu.dma_semaphore, #tpu.memory_space<semaphore_mem>>
      %dma_wait3A_89 = tpu.memref_squeeze %dma_wait3A_88 : memref<1x1x!tpu.dma_semaphore, #tpu.memory_space<semaphore_mem>> -> memref<!tpu.dma_semaphore, #tpu.memory_space<semaphore_mem>>
      %dma_wait3A_90 = arith.constant 0 : i32
      %dma_wait3A_91 = arith.constant 0 : i32
      %dma_wait3A_92 = tpu.memref_slice %arg2[%select_n3A_85, %dma_wait3A_90, %dma_wait3A_91] : memref<77x1024x512xf32, #tpu.memory_space<any>> -> memref<1x512x512xf32, #tpu.memory_space<any>>
      %dma_wait3A_93 = arith.constant 3 : i32
      %dma_wait3A_94 = arith.constant 0 : i32
      %dma_wait3A_95 = arith.constant 0 : i32
      %dma_wait3A_96 = tpu.memref_slice %arg3[%dma_wait3A_93, %dma_wait3A_94, %dma_wait3A_95] : memref<8x1024x512xf32, #tpu.memory_space<vmem>> -> memref<1x512x512xf32, #tpu.memory_space<vmem>>
      tpu.wait_dma2 semaphore(%dma_wait3A_89 : memref<!tpu.dma_semaphore, #tpu.memory_space<semaphore_mem>>) src(%dma_wait3A_96 : memref<1x512x512xf32, #tpu.memory_space<vmem>>) dst(%dma_wait3A_92 : memref<1x512x512xf32, #tpu.memory_space<any>>)
      %dma_wait3A_97 = arith.constant 3 : i32
      %dma_wait3A_98 = arith.constant 1 : i32
      %dma_wait3A_99 = tpu.memref_slice %arg4[%dma_wait3A_97, %dma_wait3A_98] : memref<8x2x!tpu.dma_semaphore, #tpu.memory_space<semaphore_mem>> -> memref<1x1x!tpu.dma_semaphore, #tpu.memory_space<semaphore_mem>>
      %dma_wait3A_100 = tpu.memref_squeeze %dma_wait3A_99 : memref<1x1x!tpu.dma_semaphore, #tpu.memory_space<semaphore_mem>> -> memref<!tpu.dma_semaphore, #tpu.memory_space<semaphore_mem>>
      %dma_wait3A_101 = arith.constant 512 : i32
      %dma_wait3A_102 = arith.constant 0 : i32
      %dma_wait3A_103 = tpu.memref_slice %arg2[%select_n3A_85, %dma_wait3A_101, %dma_wait3A_102] : memref<77x1024x512xf32, #tpu.memory_space<any>> -> memref<1x512x512xf32, #tpu.memory_space<any>>
      %dma_wait3A_104 = arith.constant 3 : i32
      %dma_wait3A_105 = arith.constant 512 : i32
      %dma_wait3A_106 = arith.constant 0 : i32
      %dma_wait3A_107 = tpu.memref_slice %arg3[%dma_wait3A_104, %dma_wait3A_105, %dma_wait3A_106] : memref<8x1024x512xf32, #tpu.memory_space<vmem>> -> memref<1x512x512xf32, #tpu.memory_space<vmem>>
      tpu.wait_dma2 semaphore(%dma_wait3A_100 : memref<!tpu.dma_semaphore, #tpu.memory_space<semaphore_mem>>) src(%dma_wait3A_107 : memref<1x512x512xf32, #tpu.memory_space<vmem>>) dst(%dma_wait3A_103 : memref<1x512x512xf32, #tpu.memory_space<any>>)
      %jit3A_108 = arith.constant false
      %jit3A_109 = arith.constant 68 : i32
      %jit3A_110 = arith.constant 72 : i32
      %select_n3A_111 = arith.select %jit3A_108, %jit3A_109, %jit3A_110 : i32
      %dma_wait3A_112 = arith.constant 4 : i32
      %dma_wait3A_113 = arith.constant 0 : i32
      %dma_wait3A_114 = tpu.memref_slice %arg4[%dma_wait3A_112, %dma_wait3A_113] : memref<8x2x!tpu.dma_semaphore, #tpu.memory_space<semaphore_mem>> -> memref<1x1x!tpu.dma_semaphore, #tpu.memory_space<semaphore_mem>>
      %dma_wait3A_115 = tpu.memref_squeeze %dma_wait3A_114 : memref<1x1x!tpu.dma_semaphore, #tpu.memory_space<semaphore_mem>> -> memref<!tpu.dma_semaphore, #tpu.memory_space<semaphore_mem>>
      %dma_wait3A_116 = arith.constant 0 : i32
      %dma_wait3A_117 = arith.constant 0 : i32
      %dma_wait3A_118 = tpu.memref_slice %arg2[%select_n3A_111, %dma_wait3A_116, %dma_wait3A_117] : memref<77x1024x512xf32, #tpu.memory_space<any>> -> memref<1x512x512xf32, #tpu.memory_space<any>>
      %dma_wait3A_119 = arith.constant 4 : i32
      %dma_wait3A_120 = arith.constant 0 : i32
      %dma_wait3A_121 = arith.constant 0 : i32
      %dma_wait3A_122 = tpu.memref_slice %arg3[%dma_wait3A_119, %dma_wait3A_120, %dma_wait3A_121] : memref<8x1024x512xf32, #tpu.memory_space<vmem>> -> memref<1x512x512xf32, #tpu.memory_space<vmem>>
      tpu.wait_dma2 semaphore(%dma_wait3A_115 : memref<!tpu.dma_semaphore, #tpu.memory_space<semaphore_mem>>) src(%dma_wait3A_122 : memref<1x512x512xf32, #tpu.memory_space<vmem>>) dst(%dma_wait3A_118 : memref<1x512x512xf32, #tpu.memory_space<any>>)
      %dma_wait3A_123 = arith.constant 4 : i32
      %dma_wait3A_124 = arith.constant 1 : i32
      %dma_wait3A_125 = tpu.memref_slice %arg4[%dma_wait3A_123, %dma_wait3A_124] : memref<8x2x!tpu.dma_semaphore, #tpu.memory_space<semaphore_mem>> -> memref<1x1x!tpu.dma_semaphore, #tpu.memory_space<semaphore_mem>>
      %dma_wait3A_126 = tpu.memref_squeeze %dma_wait3A_125 : memref<1x1x!tpu.dma_semaphore, #tpu.memory_space<semaphore_mem>> -> memref<!tpu.dma_semaphore, #tpu.memory_space<semaphore_mem>>
      %dma_wait3A_127 = arith.constant 512 : i32
      %dma_wait3A_128 = arith.constant 0 : i32
      %dma_wait3A_129 = tpu.memref_slice %arg2[%select_n3A_111, %dma_wait3A_127, %dma_wait3A_128] : memref<77x1024x512xf32, #tpu.memory_space<any>> -> memref<1x512x512xf32, #tpu.memory_space<any>>
      %dma_wait3A_130 = arith.constant 4 : i32
      %dma_wait3A_131 = arith.constant 512 : i32
      %dma_wait3A_132 = arith.constant 0 : i32
      %dma_wait3A_133 = tpu.memref_slice %arg3[%dma_wait3A_130, %dma_wait3A_131, %dma_wait3A_132] : memref<8x1024x512xf32, #tpu.memory_space<vmem>> -> memref<1x512x512xf32, #tpu.memory_space<vmem>>
      tpu.wait_dma2 semaphore(%dma_wait3A_126 : memref<!tpu.dma_semaphore, #tpu.memory_space<semaphore_mem>>) src(%dma_wait3A_133 : memref<1x512x512xf32, #tpu.memory_space<vmem>>) dst(%dma_wait3A_129 : memref<1x512x512xf32, #tpu.memory_space<any>>)
      %jit3A_134 = arith.constant false
      %jit3A_135 = arith.constant 69 : i32
      %jit3A_136 = arith.constant 73 : i32
      %select_n3A_137 = arith.select %jit3A_134, %jit3A_135, %jit3A_136 : i32
      %dma_wait3A_138 = arith.constant 5 : i32
      %dma_wait3A_139 = arith.constant 0 : i32
      %dma_wait3A_140 = tpu.memref_slice %arg4[%dma_wait3A_138, %dma_wait3A_139] : memref<8x2x!tpu.dma_semaphore, #tpu.memory_space<semaphore_mem>> -> memref<1x1x!tpu.dma_semaphore, #tpu.memory_space<semaphore_mem>>
      %dma_wait3A_141 = tpu.memref_squeeze %dma_wait3A_140 : memref<1x1x!tpu.dma_semaphore, #tpu.memory_space<semaphore_mem>> -> memref<!tpu.dma_semaphore, #tpu.memory_space<semaphore_mem>>
      %dma_wait3A_142 = arith.constant 0 : i32
      %dma_wait3A_143 = arith.constant 0 : i32
      %dma_wait3A_144 = tpu.memref_slice %arg2[%select_n3A_137, %dma_wait3A_142, %dma_wait3A_143] : memref<77x1024x512xf32, #tpu.memory_space<any>> -> memref<1x512x512xf32, #tpu.memory_space<any>>
      %dma_wait3A_145 = arith.constant 5 : i32
      %dma_wait3A_146 = arith.constant 0 : i32
      %dma_wait3A_147 = arith.constant 0 : i32
      %dma_wait3A_148 = tpu.memref_slice %arg3[%dma_wait3A_145, %dma_wait3A_146, %dma_wait3A_147] : memref<8x1024x512xf32, #tpu.memory_space<vmem>> -> memref<1x512x512xf32, #tpu.memory_space<vmem>>
      tpu.wait_dma2 semaphore(%dma_wait3A_141 : memref<!tpu.dma_semaphore, #tpu.memory_space<semaphore_mem>>) src(%dma_wait3A_148 : memref<1x512x512xf32, #tpu.memory_space<vmem>>) dst(%dma_wait3A_144 : memref<1x512x512xf32, #tpu.memory_space<any>>)
      %dma_wait3A_149 = arith.constant 5 : i32
      %dma_wait3A_150 = arith.constant 1 : i32
      %dma_wait3A_151 = tpu.memref_slice %arg4[%dma_wait3A_149, %dma_wait3A_150] : memref<8x2x!tpu.dma_semaphore, #tpu.memory_space<semaphore_mem>> -> memref<1x1x!tpu.dma_semaphore, #tpu.memory_space<semaphore_mem>>
      %dma_wait3A_152 = tpu.memref_squeeze %dma_wait3A_151 : memref<1x1x!tpu.dma_semaphore, #tpu.memory_space<semaphore_mem>> -> memref<!tpu.dma_semaphore, #tpu.memory_space<semaphore_mem>>
      %dma_wait3A_153 = arith.constant 512 : i32
      %dma_wait3A_154 = arith.constant 0 : i32
      %dma_wait3A_155 = tpu.memref_slice %arg2[%select_n3A_137, %dma_wait3A_153, %dma_wait3A_154] : memref<77x1024x512xf32, #tpu.memory_space<any>> -> memref<1x512x512xf32, #tpu.memory_space<any>>
      %dma_wait3A_156 = arith.constant 5 : i32
      %dma_wait3A_157 = arith.constant 512 : i32
      %dma_wait3A_158 = arith.constant 0 : i32
      %dma_wait3A_159 = tpu.memref_slice %arg3[%dma_wait3A_156, %dma_wait3A_157, %dma_wait3A_158] : memref<8x1024x512xf32, #tpu.memory_space<vmem>> -> memref<1x512x512xf32, #tpu.memory_space<vmem>>
      tpu.wait_dma2 semaphore(%dma_wait3A_152 : memref<!tpu.dma_semaphore, #tpu.memory_space<semaphore_mem>>) src(%dma_wait3A_159 : memref<1x512x512xf32, #tpu.memory_space<vmem>>) dst(%dma_wait3A_155 : memref<1x512x512xf32, #tpu.memory_space<any>>)
      %jit3A_160 = arith.constant false
      %jit3A_161 = arith.constant 70 : i32
      %jit3A_162 = arith.constant 74 : i32
      %select_n3A_163 = arith.select %jit3A_160, %jit3A_161, %jit3A_162 : i32
      %dma_wait3A_164 = arith.constant 6 : i32
      %dma_wait3A_165 = arith.constant 0 : i32
      %dma_wait3A_166 = tpu.memref_slice %arg4[%dma_wait3A_164, %dma_wait3A_165] : memref<8x2x!tpu.dma_semaphore, #tpu.memory_space<semaphore_mem>> -> memref<1x1x!tpu.dma_semaphore, #tpu.memory_space<semaphore_mem>>
      %dma_wait3A_167 = tpu.memref_squeeze %dma_wait3A_166 : memref<1x1x!tpu.dma_semaphore, #tpu.memory_space<semaphore_mem>> -> memref<!tpu.dma_semaphore, #tpu.memory_space<semaphore_mem>>
      %dma_wait3A_168 = arith.constant 0 : i32
      %dma_wait3A_169 = arith.constant 0 : i32
      %dma_wait3A_170 = tpu.memref_slice %arg2[%select_n3A_163, %dma_wait3A_168, %dma_wait3A_169] : memref<77x1024x512xf32, #tpu.memory_space<any>> -> memref<1x512x512xf32, #tpu.memory_space<any>>
      %dma_wait3A_171 = arith.constant 6 : i32
      %dma_wait3A_172 = arith.constant 0 : i32
      %dma_wait3A_173 = arith.constant 0 : i32
      %dma_wait3A_174 = tpu.memref_slice %arg3[%dma_wait3A_171, %dma_wait3A_172, %dma_wait3A_173] : memref<8x1024x512xf32, #tpu.memory_space<vmem>> -> memref<1x512x512xf32, #tpu.memory_space<vmem>>
      tpu.wait_dma2 semaphore(%dma_wait3A_167 : memref<!tpu.dma_semaphore, #tpu.memory_space<semaphore_mem>>) src(%dma_wait3A_174 : memref<1x512x512xf32, #tpu.memory_space<vmem>>) dst(%dma_wait3A_170 : memref<1x512x512xf32, #tpu.memory_space<any>>)
      %dma_wait3A_175 = arith.constant 6 : i32
      %dma_wait3A_176 = arith.constant 1 : i32
      %dma_wait3A_177 = tpu.memref_slice %arg4[%dma_wait3A_175, %dma_wait3A_176] : memref<8x2x!tpu.dma_semaphore, #tpu.memory_space<semaphore_mem>> -> memref<1x1x!tpu.dma_semaphore, #tpu.memory_space<semaphore_mem>>
      %dma_wait3A_178 = tpu.memref_squeeze %dma_wait3A_177 : memref<1x1x!tpu.dma_semaphore, #tpu.memory_space<semaphore_mem>> -> memref<!tpu.dma_semaphore, #tpu.memory_space<semaphore_mem>>
      %dma_wait3A_179 = arith.constant 512 : i32
      %dma_wait3A_180 = arith.constant 0 : i32
      %dma_wait3A_181 = tpu.memref_slice %arg2[%select_n3A_163, %dma_wait3A_179, %dma_wait3A_180] : memref<77x1024x512xf32, #tpu.memory_space<any>> -> memref<1x512x512xf32, #tpu.memory_space<any>>
      %dma_wait3A_182 = arith.constant 6 : i32
      %dma_wait3A_183 = arith.constant 512 : i32
      %dma_wait3A_184 = arith.constant 0 : i32
      %dma_wait3A_185 = tpu.memref_slice %arg3[%dma_wait3A_182, %dma_wait3A_183, %dma_wait3A_184] : memref<8x1024x512xf32, #tpu.memory_space<vmem>> -> memref<1x512x512xf32, #tpu.memory_space<vmem>>
      tpu.wait_dma2 semaphore(%dma_wait3A_178 : memref<!tpu.dma_semaphore, #tpu.memory_space<semaphore_mem>>) src(%dma_wait3A_185 : memref<1x512x512xf32, #tpu.memory_space<vmem>>) dst(%dma_wait3A_181 : memref<1x512x512xf32, #tpu.memory_space<any>>)
      %jit3A_186 = arith.constant false
      %jit3A_187 = arith.constant 71 : i32
      %jit3A_188 = arith.constant 75 : i32
      %select_n3A_189 = arith.select %jit3A_186, %jit3A_187, %jit3A_188 : i32
      %dma_wait3A_190 = arith.constant 7 : i32
      %dma_wait3A_191 = arith.constant 0 : i32
      %dma_wait3A_192 = tpu.memref_slice %arg4[%dma_wait3A_190, %dma_wait3A_191] : memref<8x2x!tpu.dma_semaphore, #tpu.memory_space<semaphore_mem>> -> memref<1x1x!tpu.dma_semaphore, #tpu.memory_space<semaphore_mem>>
      %dma_wait3A_193 = tpu.memref_squeeze %dma_wait3A_192 : memref<1x1x!tpu.dma_semaphore, #tpu.memory_space<semaphore_mem>> -> memref<!tpu.dma_semaphore, #tpu.memory_space<semaphore_mem>>
      %dma_wait3A_194 = arith.constant 0 : i32
      %dma_wait3A_195 = arith.constant 0 : i32
      %dma_wait3A_196 = tpu.memref_slice %arg2[%select_n3A_189, %dma_wait3A_194, %dma_wait3A_195] : memref<77x1024x512xf32, #tpu.memory_space<any>> -> memref<1x512x512xf32, #tpu.memory_space<any>>
      %dma_wait3A_197 = arith.constant 7 : i32
      %dma_wait3A_198 = arith.constant 0 : i32
      %dma_wait3A_199 = arith.constant 0 : i32
      %dma_wait3A_200 = tpu.memref_slice %arg3[%dma_wait3A_197, %dma_wait3A_198, %dma_wait3A_199] : memref<8x1024x512xf32, #tpu.memory_space<vmem>> -> memref<1x512x512xf32, #tpu.memory_space<vmem>>
      tpu.wait_dma2 semaphore(%dma_wait3A_193 : memref<!tpu.dma_semaphore, #tpu.memory_space<semaphore_mem>>) src(%dma_wait3A_200 : memref<1x512x512xf32, #tpu.memory_space<vmem>>) dst(%dma_wait3A_196 : memref<1x512x512xf32, #tpu.memory_space<any>>)
      %dma_wait3A_201 = arith.constant 7 : i32
      %dma_wait3A_202 = arith.constant 1 : i32
      %dma_wait3A_203 = tpu.memref_slice %arg4[%dma_wait3A_201, %dma_wait3A_202] : memref<8x2x!tpu.dma_semaphore, #tpu.memory_space<semaphore_mem>> -> memref<1x1x!tpu.dma_semaphore, #tpu.memory_space<semaphore_mem>>
      %dma_wait3A_204 = tpu.memref_squeeze %dma_wait3A_203 : memref<1x1x!tpu.dma_semaphore, #tpu.memory_space<semaphore_mem>> -> memref<!tpu.dma_semaphore, #tpu.memory_space<semaphore_mem>>
      %dma_wait3A_205 = arith.constant 512 : i32
      %dma_wait3A_206 = arith.constant 0 : i32
      %dma_wait3A_207 = tpu.memref_slice %arg2[%select_n3A_189, %dma_wait3A_205, %dma_wait3A_206] : memref<77x1024x512xf32, #tpu.memory_space<any>> -> memref<1x512x512xf32, #tpu.memory_space<any>>
      %dma_wait3A_208 = arith.constant 7 : i32
      %dma_wait3A_209 = arith.constant 512 : i32
      %dma_wait3A_210 = arith.constant 0 : i32
      %dma_wait3A_211 = tpu.memref_slice %arg3[%dma_wait3A_208, %dma_wait3A_209, %dma_wait3A_210] : memref<8x1024x512xf32, #tpu.memory_space<vmem>> -> memref<1x512x512xf32, #tpu.memory_space<vmem>>
      tpu.wait_dma2 semaphore(%dma_wait3A_204 : memref<!tpu.dma_semaphore, #tpu.memory_space<semaphore_mem>>) src(%dma_wait3A_211 : memref<1x512x512xf32, #tpu.memory_space<vmem>>) dst(%dma_wait3A_207 : memref<1x512x512xf32, #tpu.memory_space<any>>)
      %jit3A_212 = arith.constant false
      %jit3A_213 = arith.constant 72 : i32
      %jit3A_214 = arith.constant 76 : i32
      %select_n3A_215 = arith.select %jit3A_212, %jit3A_213, %jit3A_214 : i32
      %dma_wait3A_216 = arith.constant 0 : i32
      %dma_wait3A_217 = arith.constant 0 : i32
      %dma_wait3A_218 = tpu.memref_slice %arg4[%dma_wait3A_216, %dma_wait3A_217] : memref<8x2x!tpu.dma_semaphore, #tpu.memory_space<semaphore_mem>> -> memref<1x1x!tpu.dma_semaphore, #tpu.memory_space<semaphore_mem>>
      %dma_wait3A_219 = tpu.memref_squeeze %dma_wait3A_218 : memref<1x1x!tpu.dma_semaphore, #tpu.memory_space<semaphore_mem>> -> memref<!tpu.dma_semaphore, #tpu.memory_space<semaphore_mem>>
      %dma_wait3A_220 = arith.constant 0 : i32
      %dma_wait3A_221 = arith.constant 0 : i32
      %dma_wait3A_222 = tpu.memref_slice %arg2[%select_n3A_215, %dma_wait3A_220, %dma_wait3A_221] : memref<77x1024x512xf32, #tpu.memory_space<any>> -> memref<1x512x512xf32, #tpu.memory_space<any>>
      %dma_wait3A_223 = arith.constant 0 : i32
      %dma_wait3A_224 = arith.constant 0 : i32
      %dma_wait3A_225 = arith.constant 0 : i32
      %dma_wait3A_226 = tpu.memref_slice %arg3[%dma_wait3A_223, %dma_wait3A_224, %dma_wait3A_225] : memref<8x1024x512xf32, #tpu.memory_space<vmem>> -> memref<1x512x512xf32, #tpu.memory_space<vmem>>
      tpu.wait_dma2 semaphore(%dma_wait3A_219 : memref<!tpu.dma_semaphore, #tpu.memory_space<semaphore_mem>>) src(%dma_wait3A_226 : memref<1x512x512xf32, #tpu.memory_space<vmem>>) dst(%dma_wait3A_222 : memref<1x512x512xf32, #tpu.memory_space<any>>)
      %dma_wait3A_227 = arith.constant 0 : i32
      %dma_wait3A_228 = arith.constant 1 : i32
      %dma_wait3A_229 = tpu.memref_slice %arg4[%dma_wait3A_227, %dma_wait3A_228] : memref<8x2x!tpu.dma_semaphore, #tpu.memory_space<semaphore_mem>> -> memref<1x1x!tpu.dma_semaphore, #tpu.memory_space<semaphore_mem>>
      %dma_wait3A_230 = tpu.memref_squeeze %dma_wait3A_229 : memref<1x1x!tpu.dma_semaphore, #tpu.memory_space<semaphore_mem>> -> memref<!tpu.dma_semaphore, #tpu.memory_space<semaphore_mem>>
      %dma_wait3A_231 = arith.constant 512 : i32
      %dma_wait3A_232 = arith.constant 0 : i32
      %dma_wait3A_233 = tpu.memref_slice %arg2[%select_n3A_215, %dma_wait3A_231, %dma_wait3A_232] : memref<77x1024x512xf32, #tpu.memory_space<any>> -> memref<1x512x512xf32, #tpu.memory_space<any>>
      %dma_wait3A_234 = arith.constant 0 : i32
      %dma_wait3A_235 = arith.constant 512 : i32
      %dma_wait3A_236 = arith.constant 0 : i32
      %dma_wait3A_237 = tpu.memref_slice %arg3[%dma_wait3A_234, %dma_wait3A_235, %dma_wait3A_236] : memref<8x1024x512xf32, #tpu.memory_space<vmem>> -> memref<1x512x512xf32, #tpu.memory_space<vmem>>
      tpu.wait_dma2 semaphore(%dma_wait3A_230 : memref<!tpu.dma_semaphore, #tpu.memory_space<semaphore_mem>>) src(%dma_wait3A_237 : memref<1x512x512xf32, #tpu.memory_space<vmem>>) dst(%dma_wait3A_233 : memref<1x512x512xf32, #tpu.memory_space<any>>)
    } else {
    }
    return
  }
  func.func @transform_0(%arg0: i32) -> (i32, i32) {
    %c0_i32 = arith.constant 0 : i32
    %c0_i32_0 = arith.constant 0 : i32
    %c0_i32_1 = arith.constant 0 : i32
    return %c0_i32, %c0_i32_0 : i32, i32
  }
}

module attributes {stable_mosaic.version = 14 : i64} {
  func.func @_splice_body(%arg0: i32, %arg1: memref<77x1024x512xf32, #tpu.memory_space<any>>, %arg2: memref<1x1024x512xf32, #tpu.memory_space<vmem>>, %arg3: memref<1x1024x512xf32, #tpu.memory_space<vmem>>) attributes {dimension_semantics = [#tpu.dimension_semantics<arbitrary>], iteration_bounds = array<i64: 4>, scalar_prefetch = 0 : i64, scratch_operands = 0 : i64, tpu.core_type = #tpu.core_type<tc>, window_params = [{}, {transform_indices = @transform_1, window_bounds = array<i64: 1, 1024, 512>}, {transform_indices = @transform_2, window_bounds = array<i64: 1, 1024, 512>}]} {
    %get3A = arith.constant 0 : index
    %get3A_0 = arith.constant 0 : index
    %get3A_1 = arith.constant 0 : index
    %get3A_2 = vector.load %arg2[%get3A, %get3A_0, %get3A_1] : memref<1x1024x512xf32, #tpu.memory_space<vmem>>, vector<1x1024x512xf32>
    %swap3A = arith.constant 0 : index
    %swap3A_3 = arith.constant 0 : index
    %swap3A_4 = arith.constant 0 : index
    %swap3A_5 = vector.load %arg3[%swap3A, %swap3A_3, %swap3A_4] : memref<1x1024x512xf32, #tpu.memory_space<vmem>>, vector<1x1024x512xf32>
    tpu.vector_store %arg3[%swap3A, %swap3A_3, %swap3A_4], %get3A_2 {strides = array<i32>} : memref<1x1024x512xf32, #tpu.memory_space<vmem>>, vector<1x1024x512xf32>,
    return
  }
  func.func @transform_1(%arg0: i32) -> (i32, i32, i32) {
    %c0_i32 = arith.constant 0 : i32
    %c0_i32_0 = arith.constant 0 : i32
    %c0_i32_1 = arith.constant 0 : i32
    return %arg0, %c0_i32, %c0_i32_0 : i32, i32, i32
  }
  func.func @transform_2(%arg0: i32) -> (i32, i32, i32) {
    %add3A = arith.constant 5 : i32
    %add3A_0 = arith.addi %arg0, %add3A : i32
    %c0_i32 = arith.constant 0 : i32
    %c0_i32_1 = arith.constant 0 : i32
    %c0_i32_2 = arith.constant 0 : i32
    return %add3A_0, %c0_i32, %c0_i32_1 : i32, i32, i32
  }
}

</mosaic_0001>

<sc_bundles>
// kernel: kernel.5.cloned.1.call-start
scs
__scs_entry_jumppad:
0x0: {  	(pc) =	sbr.rel $0x88, $3  }
0x1: {  	(tag) =	ssettag $0x0;
	lr =	simm.s32 $0x1  }
0x2: {  	[smem:$0x3F9D] =	sst lr;
	_ =	strace $0xD0000000  }
0x3: {  	_ = 	snop  }
0x4: {  	_ = 	snop  }
0x5: {  	_ = 	snop  }
0x6: {  	_ = 	snop  }
0x7: {  	_ = 	snop  }
__scs_overlays_trampoline_lowered:
0x8: {  	[smem:$0x3FAC] =	sst s0  }
0x9: {  	[smem:$0x3FAD] =	sst s1  }
0xa: {  	[smem:$0x3FAE] =	sst s2  }
0xb: {  	[smem:$0x3FAF] =	sst s3  }
0xc: {  	[smem:$0x3FB0] =	sst s4  }
0xd: {  	[smem:$0x3FB1] =	sst s5  }
0xe: {  	[smem:$0x3FB2] =	sst s6  }
0xf: {  	[smem:$0x3FB3] =	sst s7  }
0x10: {  	[smem:$0x3FB4] =	sst s8  }
0x11: {  	[smem:$0x3FB5] =	sst s9;
	s0 =	simm.s32 @!p0 $0x0  }
0x12: {  	s1 =	sld [smem:$0x3F9B];
	s0 =	simm.s32 @p0 $0x1  }
0x13: {  	[smem:$0x3FB6] =	sst s0;
	s0 =	simm.s32 @!p1 $0x0  }
0x14: {  	s2 =	sld [smem:$0x3F9A];
	s0 =	simm.s32 @p1 $0x1  }
0x15: {  	[smem:$0x3FB7] =	sst s0;
	s0 =	simm.s32 @!p2 $0x0  }
0x16: {  	s3 =	sld [smem:$0x3FDB];
	s0 =	simm.s32 @p2 $0x1  }
0x17: {  	s4 =	simm.s32 $0x1BF5;
	[smem:$0x3FB9] =	sst s0  }
0x18: {  	s0 =	sld [smem:$0x3F9C];
	_ =	swait.ge [sflag:s4], $0x0  }
0x19: {  	s7 =	sld [smem:$0x3F9D]  }
0x1a: {  	s8 =	sadd.s32 $0xFFFFE003, lr  }
0x1b: {  	s9 =	sadd.s32 $0xFFFFFEF7, lr;
	s5 =	simm.s32 $0xFFFFFFFF;
	p2 =	slt.u32 s8, $0xFFFFF086  }
0x1c: {  	p1 =	slt.u32 s9, $0xF7A;
	s5 =	simm.s32 @!p2 $0x0  }
0x1d: {  	s5 =	simm.s32 @p1 $0x1;
	p0 =	seq.s32 s7, s2  }
0x1e: {  	s7 =	smul.u32 @!p0 $0xF7A, s2;
	p2 =	seq.s32 @!p0 s5, $0x0  }
0x1f: {  	s9 =	smul.u32 $0xF7A, s1;
	s8 =	simm.s32 @!p0 $0x1BF5;
	p2 =	por !p2, p0  }
0x20: {  	[sflag:s8] =	ssyncset.s32 @!p0 $0xFFFFF086;
	s6 =	sadd.s32 @!p0 s3, s7;
	s7 =	simm.s32 @!p0 $0x108  }
0x21: {  	s3 =	sadd.s32 s3, s9;
	s6 =	sadd.s32 @!p0 $0x88, s6;
	s7 =	simm.s32 @p2 $0x1082  }
0x22: {  	[simem:s7], [sflag:s8] =	dma.local @!p0 [hbm:s6], $0xF7A  }
0x23: {  	s9 =	sor.u32 $0xD0000000, s2;
	s6 =	simm.s32 $0x108;
	_ =	swait.ge @!p0 [sflag:s8], $0x0  }
0x24: {  	s3 =	sadd.s32 $0x88, s3;
	s6 =	simm.s32 @!p1 $0x1082;
	[sflag:s4] =	ssyncset.s32 $0xFFFFF086  }
0x25: {  	[simem:s6], [sflag:s4] =	dma.local [hbm:s3], $0xF7A  }
0x26: {  	[smem:$0x3F9D] =	sst s1;
	(tag) =	ssettag s2;
	_ =	strace s9  }
0x27: {  	s1 =	sld [smem:$0x3FAD]  }
0x28: {  	s2 =	sld [smem:$0x3FAE]  }
0x29: {  	s4 =	sld [smem:$0x3FB0]  }
0x2a: {  	p0 =	seq.s32 s5, $0x0;
	s5 =	sld [smem:$0x3FB1]  }
0x2b: {  	s6 =	sld [smem:$0x3FB2]  }
0x2c: {  	s7 =	sld [smem:$0x3FB3]  }
0x2d: {  	s3 =	simm.s32 $0x108;
	s8 =	sld [smem:$0x3FB4]  }
0x2e: {  	s3 =	simm.s32 @!p0 $0x1082;
	s9 =	sld [smem:$0x3FB5]  }
0x2f: {  	lr =	sadd.s32 s0, s3;
	s0 =	sld [smem:$0x3FAC]  }
0x30: {  	s3 =	sld [smem:$0x3FAF]  }
0x31: {  	[smem:$0x3FB8] =	sst s10  }
0x32: {  	s10 =	sld [smem:$0x3FB6];
	_ =	sdelay $0x3  }
0x33: {  	p0 =	seq.s32 s10, $0x1;
	s10 =	sld [smem:$0x3FB8];
	_ =	sdelay $0x3  }
0x34: {  	[smem:$0x3FB8] =	sst s10  }
0x35: {  	s10 =	sld [smem:$0x3FB7];
	_ =	sdelay $0x3  }
0x36: {  	p1 =	seq.s32 s10, $0x1;
	s10 =	sld [smem:$0x3FB8];
	_ =	sdelay $0x3  }
0x37: {  	[smem:$0x3FB8] =	sst s10  }
0x38: {  	s10 =	sld [smem:$0x3FB9]  }
0x39: {  	_ = 	snop;
	(pc) =	sbr.ind lr, $3  }
0x3a: {  	_ = 	snop  }
0x3b: {  	_ = 	snop  }
0x3c: {  	p2 =	seq.s32 s10, $0x1;
	s10 =	sld [smem:$0x3FB8]  }
0x3d: {  	_ =	shalt  }
0x3e: {  	_ =	shalt  }
0x3f: {  	_ =	shalt  }
0x40: {  	_ =	shalt  }
0x41: {  	_ =	shalt  }
0x42: {  	_ =	shalt  }
0x43: {  	_ =	shalt  }
0x44: {  	_ =	shalt  }
0x45: {  	_ =	shalt  }
0x46: {  	_ =	shalt  }
0x47: {  	_ =	shalt  }
0x48: {  	_ =	shalt  }
0x49: {  	_ =	shalt  }
0x4a: {  	_ =	shalt  }
0x4b: {  	_ =	shalt  }
0x4c: {  	_ =	shalt  }
0x4d: {  	_ =	shalt  }
0x4e: {  	_ =	shalt  }
0x4f: {  	_ =	shalt  }
0x50: {  	_ =	shalt  }
0x51: {  	_ =	shalt  }
0x52: {  	_ =	shalt  }
0x53: {  	_ =	shalt  }
0x54: {  	_ =	shalt  }
0x55: {  	_ =	shalt  }
0x56: {  	_ =	shalt  }
0x57: {  	_ =	shalt  }
0x58: {  	_ =	shalt  }
0x59: {  	_ =	shalt  }
0x5a: {  	_ =	shalt  }
0x5b: {  	_ =	shalt  }
0x5c: {  	_ =	shalt  }
0x5d: {  	_ =	shalt  }
0x5e: {  	_ =	shalt  }
0x5f: {  	_ =	shalt  }
0x60: {  	_ =	shalt  }
0x61: {  	_ =	shalt  }
0x62: {  	_ =	shalt  }
0x63: {  	_ =	shalt  }
0x64: {  	_ =	shalt  }
0x65: {  	_ =	shalt  }
0x66: {  	_ =	shalt  }
0x67: {  	_ =	shalt  }
0x68: {  	_ =	shalt  }
0x69: {  	_ =	shalt  }
0x6a: {  	_ =	shalt  }
0x6b: {  	_ =	shalt  }
0x6c: {  	_ =	shalt  }
0x6d: {  	_ =	shalt  }
0x6e: {  	_ =	shalt  }
0x6f: {  	_ =	shalt  }
0x70: {  	_ =	shalt  }
0x71: {  	_ =	shalt  }
0x72: {  	_ =	shalt  }
0x73: {  	_ =	shalt  }
0x74: {  	_ =	shalt  }
0x75: {  	_ =	shalt  }
0x76: {  	_ =	shalt  }
0x77: {  	_ =	shalt  }
0x78: {  	_ =	shalt  }
0x79: {  	_ =	shalt  }
0x7a: {  	_ =	shalt  }
0x7b: {  	_ =	shalt  }
0x7c: {  	_ =	shalt  }
0x7d: {  	_ =	shalt  }
0x7e: {  	_ =	shalt  }
0x7f: {  	_ =	shalt  }
0x80: {  	_ =	shalt  }
0x81: {  	_ =	shalt  }
0x82: {  	_ =	shalt  }
0x83: {  	_ =	shalt  }
0x84: {  	_ =	shalt  }
0x85: {  	_ =	shalt  }
0x86: {  	_ =	shalt  }
0x87: {  	_ =	shalt  }
.Lfunc_end0:
.L_simem_size_0:
called_computation_lowered:
.L_overlay_start_0:
0x88: {  	s2 =	sld [smem:$0x3FD9]  }
0x89: {  	s3 =	sld [smem:$0x3FFE];
	_ =	sdelay $0x1  }
0x8a: {  	s1 =	srdreg.scid  }
0x8b: {  	s0 =	sand.u32 $0x1, s1  }
0x8c: {  	s17 =	sshll.u32 s0, $0xA;
	s2 =	sadd.s32 s3, s2  }
0x8d: {  	s2 =	sadd.s32 s2, s17  }
0x8e: {  	[smem:$0x3FC4] =	sst s2  }
0x8f: {  	_ = 	snop  }
0x90: {  	s2 =	sld [smem:$0x3FC9]  }
0x91: {  	s18 =	sld [smem:$0x3FC8];
	(tm) =	ssettm $0x1  }
0x92: {  	s4 =	sld [smem:$0x3FFB];
	_ =	sdelay $0x3  }
0x93: {  	_ =	strace s4  }
0x94: {  	s4 =	sld [smem:$0x3FFC];
	_ =	sdelay $0x3  }
0x95: {  	_ =	strace s4  }
0x96: {  	s4 =	sld [smem:$0x3FFD];
	_ =	sdelay $0x3  }
0x97: {  	_ =	strace s4  }
0x98: {  	_ =	strace $0x8FFFFFFF  }
0x99: {  	s19 =	sld [smem:$0x3FDB];
	_ =	sdelay $0x1  }
0x9a: {  	s5 =	simm.s32 $_scs_section_size  }
0x9b: {  	s6 =	simm.s32 $_size__tile_overlayer_lowered;
	s7 =	simm.s32 $_tile_overlayer_lowered  }
0x9c: {  	s22 =	simm.s32 $0x1BFF;
	s21 =	sshll.u32 s7, $0x1;
	s4 =	sadd.s32 s5, s19  }
0x9d: {  	s8 =	simm.s32 $0x0;
	s20 =	sshll.u32 s6, $0x1;
	s6 =	sadd.s32 s21, s4  }
0x9e: {  	[timem:s8], [sflag:s22] =	dma.local [hbm:s6], s20  }
0x9f: {  	_ =	swait.ge [sflag:s22], s20  }
0xa0: {  	s5 =	ssub.s32 $0x0, s20;
	[sflag:s22] =	ssyncset.done $0x0  }
0xa1: {  	[sflag:s22] =	ssyncadd.s32 s5;
	_ =	sdelay $0x1  }
0xa2: {  	s23 =	simm.s32 $0x1B8B  }
0xa3: {  	_ =	swait.ge [sflag:s23], $0x1  }
0xa4: {  	[sflag:s23] =	ssyncset.done $0x0  }
0xa5: {  	s25 =	simm.s32 $0x1B8E;
	s24 =	sld [smem:$0x3FFE];
	[sflag:s23] =	ssyncadd.s32 $0xFFFFFFFF  }
0xa6: {  	s26 =	simm.s32 $execute0_lowered;
	[smem:$0x3FD2] =	sst s25  }
0xa7: {  	s6 =	sshll.u32 s26, $0x1;
	_ =	strace $0x80000046;
	[dreg:$0x1] =	wrdreg $0xFFFFFFFF  }
0xa8: {  	s28 =	simm.s32 $_size_execute0_lowered;
	s4 =	sadd.s32 s4, s6;
	[dreg:$0x0] =	wrdreg $0x0  }
0xa9: {  	s6 =	sshll.u32 s28, $0x1;
	[dreg:$0x2] =	wrdreg s4  }
0xaa: {  	[dreg:$0x3] =	wrdreg s6  }
0xab: {  	[dreg:$0x4] =	wrdreg $0xC0  }
0xac: {  	_ =	task [dreg:s8], $0x5FFFF  }
0xad: {  	[dreg:$0x1] =	wrdreg $0xFFFFFFFF  }
0xae: {  	[dreg:$0x0] =	wrdreg $0x60  }
0xaf: {  	[dreg:$0x2] =	wrdreg s2  }
0xb0: {  	[dreg:$0x3] =	wrdreg s18  }
0xb1: {  	[dreg:$0x4] =	wrdreg s24  }
0xb2: {  	[dreg:$0x5] =	wrdreg $0x9  }
0xb3: {  	_ =	task.clear_ibuf [dreg:s8], $0x6FFFF;
	_ =	strace $0x90000046  }
0xb4: {  	s29 =	simm.s32 $0x9;
	_ =	strace $0x80000048  }
0xb5: {  	_ =	swait.ge [sflag:s29], $0x1  }
0xb6: {  	[sflag:s29] =	ssyncadd.s32 $0xFFFFFFFF  }
0xb7: {  	_ =	strace $0x90000048  }
0xb8: {  	_ =	sfence  }
0xb9: {  	s30 =	sld [smem:$0x0];
	_ =	sdelay $0x2  }
0xba: {  	s31 =	sshll.u32 s1, $0xD;
	s1 =	sshrl.u32 s1, $0x2  }
0xbb: {  	s3 =	sand.u32 $0x4000, s31;
	s1 =	sadd.s32 s1, s30  }
0xbc: {  	s0 =	sor.u32 s3, s0;
	s1 =	sshll.u32 s1, $0x11  }
0xbd: {  	s0 =	sor.u32 s1, s0  }
0xbe: {  	s0 =	sadd.s32 $0x8F2B, s0  }
0xbf: {  	[sflag:s0] =	ssyncadd.remote.s32 $0x1  }
0xc0: {  	_ =	sfence.sel $0xFFFF  }
0xc1: {  	[dreg:$0x0] =	wrdreg $0xFFFFFFFF;
	(pc) =	sbr.abs _section_cstart, $3  }
0xc2: {  	[dreg:$0x1] =	wrdreg $0xFFFFFFFF  }
0xc3: {  	_ =	task.clear_ibuf [dreg:s8], $0x2FFFF;
	_ =	strace $0x9FFFFFFF  }
0xc4: {  	(tm) =	ssettm $0x7FFFFFFF  }
0xc5: {  	_ =	shalt  }
tec
execute0_lowered:
.L_overlay_start_1:
0x0: {  	(tag) =	ssettag $0x1  }
0x1: {  	s4 =	rddreg [dreg:$0x0]  }
0x2: {  	s2 =	rddreg [dreg:$0x1]  }
0x3: {  	s5 =	rddreg [dreg:$0x2];
	s3 =	srdreg.scid  }
0x4: {  	s0 =	rddreg [dreg:$0x3];
	s1 =	stileid.u32  }
0x5: {  	s10 =	simm.s32 $0x2;
	s11 =	simm.s32 $0x80;
	s12 =	simm.s32 $0x8080  }
0x6: {  	s13 =	simm.s32 $0x1;
	s14 =	simm.s32 $0x0;
	s6 =	sand.u32 $0x1, s3  }
0x7: {  	s3 =	simm.s32 $0x0;
	s7 =	sshll.u32 s1, $0x6;
	s8 =	sshll.u32 s6, $0x5  }
0x8: {  	[smem:$0x7FF] =	sst s3;
	s6 =	ssub.s32 $0x2, s6;
	s7 =	sor.u32 s8, s7  }
0x9: {  	_ =	strace $0x80000047;
	s31 =	sshrl.u32 s6, $0x1;
	s8 =	sshll.u32 s7, $0x6  }
0xa: {  	s7 =	sshrl.u32 s7, $0x3;
	s9 =	ssub.s32 s6, s31;
	s8 =	sadd.s32 s8, s5  }
0xb: {  	s4 =	sadd.s32 s4, s7;
	s9 =	smax.u32 s9, $0x1;
	s5 =	sadd.s32 $0xA00, s8  }
0xc: {  	v0 =	vlaneseq.u32;
	vm0 =	vmmov $0xffff;
	s6 =	sadd.s32 $0x10A00, s8;
	s7 =	sadd.s32 $0x20A00, s8;
	s8 =	sadd.s32 $0x30A00, s8  }
.LBB2_1:
0xd: {  	[tilespmem:s3], [sflag:$0x2] =	stream.linear.gather [hbm4b:s4+s3], $0x20, $0x38;
	[tilespmem:$0x10080] =	vst v63  }
0xe: {  	_ =	swait.ge [sflag:s10], $0x20  }
0xf: {  	[sflag:s10] =	ssyncset.done $0x0  }
0x10: {  	[sflag:s10] =	ssyncadd.s32 $0xFFFFFFE0  }
0x11: {  	v1 =	vld [tilespmem:$0x0];
	_ =	sdelay $0x4  }
0x12: {  	v1 =	vshll.u32 v1, $0xB  }
0x13: {  	v1 =	vperm.xlane v1, v0;
	_ =	sdelay $0x5  }
0x14: {  	[tilespmem:s11], [sflag:$0x1] =	stream.indirect_vreg.gather [hbm4b:s2+s3], $0x800, v1, vm0, $0x38;
	[tilespmem:$0x10080] =	vst v63  }
0x15: {  	v1 =	vld [tilespmem:$0x10];
	_ =	sdelay $0x4  }
0x16: {  	v1 =	vshll.u32 v1, $0xB  }
0x17: {  	v1 =	vperm.xlane v1, v0;
	_ =	sdelay $0x5  }
0x18: {  	[tilespmem:s12], [sflag:$0x1] =	stream.indirect_vreg.gather [hbm4b:s2+s3], $0x800, v1, vm0, $0x38;
	[tilespmem:$0x10080] =	vst v63  }
0x19: {  	_ =	swait.ge [sflag:s13], $0x10000  }
0x1a: {  	[sflag:s13] =	ssyncset.done $0x0  }
0x1b: {  	s15 =	simm.s32 $0x80;
	[sflag:s13] =	ssyncadd.s32 $0xFFFF0000  }
0x1c: {  	[hbm4b:s5+s3] =	stream.linear.scatter [tilespmem:s15], [sflag:$0x2], $0x80, $0x38;
	[tilespmem:$0x10080] =	vst v63  }
0x1d: {  	s29 =	simm.s32 $0x880;
	s16 =	sadd.s32 $0x10, s5  }
0x1e: {  	[hbm4b:s16+s3] =	stream.linear.scatter [tilespmem:s29], [sflag:$0x2], $0x80, $0x38;
	[tilespmem:$0x10080] =	vst v63  }
0x1f: {  	s30 =	simm.s32 $0x1080;
	s31 =	sadd.s32 $0x20, s5  }
0x20: {  	[hbm4b:s31+s3] =	stream.linear.scatter [tilespmem:s30], [sflag:$0x2], $0x80, $0x38;
	[tilespmem:$0x10080] =	vst v63  }
0x21: {  	s17 =	simm.s32 $0x1880;
	s18 =	sadd.s32 $0x30, s5  }
0x22: {  	[hbm4b:s18+s3] =	stream.linear.scatter [tilespmem:s17], [sflag:$0x2], $0x80, $0x38;
	[tilespmem:$0x10080] =	vst v63  }
0x23: {  	s19 =	simm.s32 $0x2080;
	s20 =	sadd.s32 $0x40, s5  }
0x24: {  	[hbm4b:s20+s3] =	stream.linear.scatter [tilespmem:s19], [sflag:$0x2], $0x80, $0x38;
	[tilespmem:$0x10080] =	vst v63  }
0x25: {  	s21 =	simm.s32 $0x2880;
	s22 =	sadd.s32 $0x50, s5  }
0x26: {  	[hbm4b:s22+s3] =	stream.linear.scatter [tilespmem:s21], [sflag:$0x2], $0x80, $0x38;
	[tilespmem:$0x10080] =	vst v63  }
0x27: {  	s23 =	simm.s32 $0x3080;
	s24 =	sadd.s32 $0x60, s5  }
0x28: {  	[hbm4b:s24+s3] =	stream.linear.scatter [tilespmem:s23], [sflag:$0x2], $0x80, $0x38;
	[tilespmem:$0x10080] =	vst v63  }
0x29: {  	s25 =	simm.s32 $0x3880;
	s26 =	sadd.s32 $0x70, s5  }
0x2a: {  	[hbm4b:s26+s3] =	stream.linear.scatter [tilespmem:s25], [sflag:$0x2], $0x80, $0x38;
	[tilespmem:$0x10080] =	vst v63  }
0x2b: {  	s28 =	simm.s32 $0x280;
	s29 =	sadd.s32 $0x80, s5  }
0x2c: {  	[hbm4b:s29+s3] =	stream.linear.scatter [tilespmem:s28], [sflag:$0x2], $0x80, $0x38;
	[tilespmem:$0x10080] =	vst v63  }
0x2d: {  	s30 =	simm.s32 $0xA80;
	s31 =	sadd.s32 $0x90, s5  }
0x2e: {  	[hbm4b:s31+s3] =	stream.linear.scatter [tilespmem:s30], [sflag:$0x2], $0x80, $0x38;
	[tilespmem:$0x10080] =	vst v63  }
0x2f: {  	s17 =	simm.s32 $0x1280;
	s18 =	sadd.s32 $0xA0, s5  }
0x30: {  	[hbm4b:s18+s3] =	stream.linear.scatter [tilespmem:s17], [sflag:$0x2], $0x80, $0x38;
	[tilespmem:$0x10080] =	vst v63  }
0x31: {  	s19 =	simm.s32 $0x1A80;
	s20 =	sadd.s32 $0xB0, s5  }
0x32: {  	[hbm4b:s20+s3] =	stream.linear.scatter [tilespmem:s19], [sflag:$0x2], $0x80, $0x38;
	[tilespmem:$0x10080] =	vst v63  }
0x33: {  	s21 =	simm.s32 $0x2280;
	s22 =	sadd.s32 $0xC0, s5  }
0x34: {  	[hbm4b:s22+s3] =	stream.linear.scatter [tilespmem:s21], [sflag:$0x2], $0x80, $0x38;
	[tilespmem:$0x10080] =	vst v63  }
0x35: {  	s23 =	simm.s32 $0x2A80;
	s24 =	sadd.s32 $0xD0, s5  }
0x36: {  	[hbm4b:s24+s3] =	stream.linear.scatter [tilespmem:s23], [sflag:$0x2], $0x80, $0x38;
	[tilespmem:$0x10080] =	vst v63  }
0x37: {  	s25 =	simm.s32 $0x3280;
	s26 =	sadd.s32 $0xE0, s5  }
0x38: {  	[hbm4b:s26+s3] =	stream.linear.scatter [tilespmem:s25], [sflag:$0x2], $0x80, $0x38;
	[tilespmem:$0x10080] =	vst v63  }
0x39: {  	s28 =	simm.s32 $0x3A80;
	s29 =	sadd.s32 $0xF0, s5  }
0x3a: {  	[hbm4b:s29+s3] =	stream.linear.scatter [tilespmem:s28], [sflag:$0x2], $0x80, $0x38;
	[tilespmem:$0x10080] =	vst v63  }
0x3b: {  	s30 =	simm.s32 $0x480;
	s31 =	sadd.s32 $0x100, s5  }
0x3c: {  	[hbm4b:s31+s3] =	stream.linear.scatter [tilespmem:s30], [sflag:$0x2], $0x80, $0x38;
	[tilespmem:$0x10080] =	vst v63  }
0x3d: {  	s17 =	simm.s32 $0xC80;
	s18 =	sadd.s32 $0x110, s5  }
0x3e: {  	[hbm4b:s18+s3] =	stream.linear.scatter [tilespmem:s17], [sflag:$0x2], $0x80, $0x38;
	[tilespmem:$0x10080] =	vst v63  }
0x3f: {  	s19 =	simm.s32 $0x1480;
	s20 =	sadd.s32 $0x120, s5  }
0x40: {  	[hbm4b:s20+s3] =	stream.linear.scatter [tilespmem:s19], [sflag:$0x2], $0x80, $0x38;
	[tilespmem:$0x10080] =	vst v63  }
0x41: {  	s21 =	simm.s32 $0x1C80;
	s22 =	sadd.s32 $0x130, s5  }
0x42: {  	[hbm4b:s22+s3] =	stream.linear.scatter [tilespmem:s21], [sflag:$0x2], $0x80, $0x38;
	[tilespmem:$0x10080] =	vst v63  }
0x43: {  	s23 =	simm.s32 $0x2480;
	s24 =	sadd.s32 $0x140, s5  }
0x44: {  	[hbm4b:s24+s3] =	stream.linear.scatter [tilespmem:s23], [sflag:$0x2], $0x80, $0x38;
	[tilespmem:$0x10080] =	vst v63  }
0x45: {  	s25 =	simm.s32 $0x2C80;
	s26 =	sadd.s32 $0x150, s5  }
0x46: {  	[hbm4b:s26+s3] =	stream.linear.scatter [tilespmem:s25], [sflag:$0x2], $0x80, $0x38;
	[tilespmem:$0x10080] =	vst v63  }
0x47: {  	s28 =	simm.s32 $0x3480;
	s29 =	sadd.s32 $0x160, s5  }
0x48: {  	[hbm4b:s29+s3] =	stream.linear.scatter [tilespmem:s28], [sflag:$0x2], $0x80, $0x38;
	[tilespmem:$0x10080] =	vst v63  }
0x49: {  	s30 =	simm.s32 $0x3C80;
	s31 =	sadd.s32 $0x170, s5  }
0x4a: {  	[hbm4b:s31+s3] =	stream.linear.scatter [tilespmem:s30], [sflag:$0x2], $0x80, $0x38;
	[tilespmem:$0x10080] =	vst v63  }
0x4b: {  	s17 =	simm.s32 $0x680;
	s18 =	sadd.s32 $0x180, s5  }
0x4c: {  	[hbm4b:s18+s3] =	stream.linear.scatter [tilespmem:s17], [sflag:$0x2], $0x80, $0x38;
	[tilespmem:$0x10080] =	vst v63  }
0x4d: {  	s19 =	simm.s32 $0xE80;
	s20 =	sadd.s32 $0x190, s5  }
0x4e: {  	[hbm4b:s20+s3] =	stream.linear.scatter [tilespmem:s19], [sflag:$0x2], $0x80, $0x38;
	[tilespmem:$0x10080] =	vst v63  }
0x4f: {  	s15 =	simm.s32 $0x4000;
	s21 =	simm.s32 $0x1680;
	s22 =	sadd.s32 $0x1A0, s5  }
0x50: {  	[hbm4b:s22+s3] =	stream.linear.scatter [tilespmem:s21], [sflag:$0x2], $0x80, $0x38;
	[tilespmem:$0x10080] =	vst v63  }
0x51: {  	s16 =	sadd.s32 $0x200, s5;
	s23 =	simm.s32 $0x1E80;
	s24 =	sadd.s32 $0x1B0, s5  }
0x52: {  	[hbm4b:s24+s3] =	stream.linear.scatter [tilespmem:s23], [sflag:$0x2], $0x80, $0x38;
	[tilespmem:$0x10080] =	vst v63  }
0x53: {  	s25 =	simm.s32 $0x2680;
	s26 =	sadd.s32 $0x1C0, s5;
	s28 =	simm.s32 $0x2E80  }
0x54: {  	[hbm4b:s26+s3] =	stream.linear.scatter [tilespmem:s25], [sflag:$0x2], $0x80, $0x38;
	[tilespmem:$0x10080] =	vst v63  }
0x55: {  	s29 =	sadd.s32 $0x1D0, s5;
	s30 =	simm.s32 $0x3680;
	s31 =	sadd.s32 $0x1E0, s5  }
0x56: {  	[hbm4b:s29+s3] =	stream.linear.scatter [tilespmem:s28], [sflag:$0x2], $0x80, $0x38;
	[tilespmem:$0x10080] =	vst v63  }
0x57: {  	s17 =	simm.s32 $0x3E80;
	s19 =	simm.s32 $0x20000;
	s20 =	sadd.s32 $0x1F0, s5  }
0x58: {  	[hbm4b:s31+s3] =	stream.linear.scatter [tilespmem:s30], [sflag:$0x2], $0x80, $0x38;
	[tilespmem:$0x10080] =	vst v63  }
.LBB2_2:
0x59: {  	[hbm4b:s20+s3] =	stream.linear.scatter [tilespmem:s17], [sflag:$0x2], $0x80, $0x38;
	[tilespmem:$0x10080] =	vst v63  }
0x5a: {  	s17 =	smov.u32 s15;
	s15 =	smov.u32 s19  }
0x5b: {  	s18 =	sadd.s32 $0x10000, s19;
	s15 =	sshra.s32 s15, $0x2;
	s20 =	sadd.s32 $0x80, s17  }
0x5c: {  	[hbm4b:s16+s3] =	stream.linear.scatter [tilespmem:s20], [sflag:$0x2], $0x80, $0x38;
	[tilespmem:$0x10080] =	vst v63  }
0x5d: {  	p0 =	sne.s32 s19, $0x30000;
	s19 =	sadd.s32 $0x880, s17;
	s20 =	sadd.s32 $0x10, s16  }
0x5e: {  	[hbm4b:s20+s3] =	stream.linear.scatter [tilespmem:s19], [sflag:$0x2], $0x80, $0x38;
	[tilespmem:$0x10080] =	vst v63  }
0x5f: {  	s19 =	sadd.s32 $0x1080, s17;
	s20 =	sadd.s32 $0x20, s16  }
0x60: {  	[hbm4b:s20+s3] =	stream.linear.scatter [tilespmem:s19], [sflag:$0x2], $0x80, $0x38;
	[tilespmem:$0x10080] =	vst v63  }
0x61: {  	s19 =	sadd.s32 $0x1880, s17;
	s20 =	sadd.s32 $0x30, s16  }
0x62: {  	[hbm4b:s20+s3] =	stream.linear.scatter [tilespmem:s19], [sflag:$0x2], $0x80, $0x38;
	[tilespmem:$0x10080] =	vst v63  }
0x63: {  	s19 =	sadd.s32 $0x2080, s17;
	s20 =	sadd.s32 $0x40, s16  }
0x64: {  	[hbm4b:s20+s3] =	stream.linear.scatter [tilespmem:s19], [sflag:$0x2], $0x80, $0x38;
	[tilespmem:$0x10080] =	vst v63  }
0x65: {  	s19 =	sadd.s32 $0x2880, s17;
	s20 =	sadd.s32 $0x50, s16  }
0x66: {  	[hbm4b:s20+s3] =	stream.linear.scatter [tilespmem:s19], [sflag:$0x2], $0x80, $0x38;
	[tilespmem:$0x10080] =	vst v63  }
0x67: {  	s19 =	sadd.s32 $0x3080, s17;
	s20 =	sadd.s32 $0x60, s16  }
0x68: {  	[hbm4b:s20+s3] =	stream.linear.scatter [tilespmem:s19], [sflag:$0x2], $0x80, $0x38;
	[tilespmem:$0x10080] =	vst v63  }
0x69: {  	s19 =	sadd.s32 $0x3880, s17;
	s20 =	sadd.s32 $0x70, s16  }
0x6a: {  	[hbm4b:s20+s3] =	stream.linear.scatter [tilespmem:s19], [sflag:$0x2], $0x80, $0x38;
	[tilespmem:$0x10080] =	vst v63  }
0x6b: {  	s19 =	sadd.s32 $0x280, s17;
	s20 =	sadd.s32 $0x80, s16  }
0x6c: {  	[hbm4b:s20+s3] =	stream.linear.scatter [tilespmem:s19], [sflag:$0x2], $0x80, $0x38;
	[tilespmem:$0x10080] =	vst v63  }
0x6d: {  	s19 =	sadd.s32 $0xA80, s17;
	s20 =	sadd.s32 $0x90, s16  }
0x6e: {  	[hbm4b:s20+s3] =	stream.linear.scatter [tilespmem:s19], [sflag:$0x2], $0x80, $0x38;
	[tilespmem:$0x10080] =	vst v63  }
0x6f: {  	s19 =	sadd.s32 $0x1280, s17;
	s20 =	sadd.s32 $0xA0, s16  }
0x70: {  	[hbm4b:s20+s3] =	stream.linear.scatter [tilespmem:s19], [sflag:$0x2], $0x80, $0x38;
	[tilespmem:$0x10080] =	vst v63  }
0x71: {  	s19 =	sadd.s32 $0x1A80, s17;
	s20 =	sadd.s32 $0xB0, s16  }
0x72: {  	[hbm4b:s20+s3] =	stream.linear.scatter [tilespmem:s19], [sflag:$0x2], $0x80, $0x38;
	[tilespmem:$0x10080] =	vst v63  }
0x73: {  	s19 =	sadd.s32 $0x2280, s17;
	s20 =	sadd.s32 $0xC0, s16  }
0x74: {  	[hbm4b:s20+s3] =	stream.linear.scatter [tilespmem:s19], [sflag:$0x2], $0x80, $0x38;
	[tilespmem:$0x10080] =	vst v63  }
0x75: {  	s19 =	sadd.s32 $0x2A80, s17;
	s20 =	sadd.s32 $0xD0, s16  }
0x76: {  	[hbm4b:s20+s3] =	stream.linear.scatter [tilespmem:s19], [sflag:$0x2], $0x80, $0x38;
	[tilespmem:$0x10080] =	vst v63  }
0x77: {  	s19 =	sadd.s32 $0x3280, s17;
	s20 =	sadd.s32 $0xE0, s16  }
0x78: {  	[hbm4b:s20+s3] =	stream.linear.scatter [tilespmem:s19], [sflag:$0x2], $0x80, $0x38;
	[tilespmem:$0x10080] =	vst v63  }
0x79: {  	s19 =	sadd.s32 $0x3A80, s17;
	s20 =	sadd.s32 $0xF0, s16  }
0x7a: {  	[hbm4b:s20+s3] =	stream.linear.scatter [tilespmem:s19], [sflag:$0x2], $0x80, $0x38;
	[tilespmem:$0x10080] =	vst v63  }
0x7b: {  	s19 =	sadd.s32 $0x480, s17;
	s20 =	sadd.s32 $0x100, s16  }
0x7c: {  	[hbm4b:s20+s3] =	stream.linear.scatter [tilespmem:s19], [sflag:$0x2], $0x80, $0x38;
	[tilespmem:$0x10080] =	vst v63  }
0x7d: {  	s19 =	sadd.s32 $0xC80, s17;
	s20 =	sadd.s32 $0x110, s16  }
0x7e: {  	[hbm4b:s20+s3] =	stream.linear.scatter [tilespmem:s19], [sflag:$0x2], $0x80, $0x38;
	[tilespmem:$0x10080] =	vst v63  }
0x7f: {  	s19 =	sadd.s32 $0x1480, s17;
	s20 =	sadd.s32 $0x120, s16  }
0x80: {  	[hbm4b:s20+s3] =	stream.linear.scatter [tilespmem:s19], [sflag:$0x2], $0x80, $0x38;
	[tilespmem:$0x10080] =	vst v63  }
0x81: {  	s19 =	sadd.s32 $0x1C80, s17;
	s20 =	sadd.s32 $0x130, s16  }
0x82: {  	[hbm4b:s20+s3] =	stream.linear.scatter [tilespmem:s19], [sflag:$0x2], $0x80, $0x38;
	[tilespmem:$0x10080] =	vst v63  }
0x83: {  	s19 =	sadd.s32 $0x2480, s17;
	s20 =	sadd.s32 $0x140, s16  }
0x84: {  	[hbm4b:s20+s3] =	stream.linear.scatter [tilespmem:s19], [sflag:$0x2], $0x80, $0x38;
	[tilespmem:$0x10080] =	vst v63  }
0x85: {  	s19 =	sadd.s32 $0x2C80, s17;
	s20 =	sadd.s32 $0x150, s16  }
0x86: {  	[hbm4b:s20+s3] =	stream.linear.scatter [tilespmem:s19], [sflag:$0x2], $0x80, $0x38;
	[tilespmem:$0x10080] =	vst v63  }
0x87: {  	s19 =	sadd.s32 $0x3480, s17;
	s20 =	sadd.s32 $0x160, s16  }
0x88: {  	[hbm4b:s20+s3] =	stream.linear.scatter [tilespmem:s19], [sflag:$0x2], $0x80, $0x38;
	[tilespmem:$0x10080] =	vst v63  }
0x89: {  	s19 =	sadd.s32 $0x3C80, s17;
	s20 =	sadd.s32 $0x170, s16  }
0x8a: {  	[hbm4b:s20+s3] =	stream.linear.scatter [tilespmem:s19], [sflag:$0x2], $0x80, $0x38;
	[tilespmem:$0x10080] =	vst v63  }
0x8b: {  	s19 =	sadd.s32 $0x680, s17;
	s20 =	sadd.s32 $0x180, s16  }
0x8c: {  	[hbm4b:s20+s3] =	stream.linear.scatter [tilespmem:s19], [sflag:$0x2], $0x80, $0x38;
	[tilespmem:$0x10080] =	vst v63  }
0x8d: {  	s19 =	sadd.s32 $0xE80, s17;
	s20 =	sadd.s32 $0x190, s16  }
0x8e: {  	[hbm4b:s20+s3] =	stream.linear.scatter [tilespmem:s19], [sflag:$0x2], $0x80, $0x38;
	[tilespmem:$0x10080] =	vst v63  }
0x8f: {  	s19 =	sadd.s32 $0x1680, s17;
	s20 =	sadd.s32 $0x1A0, s16  }
0x90: {  	[hbm4b:s20+s3] =	stream.linear.scatter [tilespmem:s19], [sflag:$0x2], $0x80, $0x38;
	[tilespmem:$0x10080] =	vst v63  }
0x91: {  	s19 =	sadd.s32 $0x1E80, s17;
	s20 =	sadd.s32 $0x1B0, s16  }
0x92: {  	[hbm4b:s20+s3] =	stream.linear.scatter [tilespmem:s19], [sflag:$0x2], $0x80, $0x38;
	[tilespmem:$0x10080] =	vst v63  }
0x93: {  	s19 =	sadd.s32 $0x2680, s17;
	s20 =	sadd.s32 $0x1C0, s16  }
0x94: {  	[hbm4b:s20+s3] =	stream.linear.scatter [tilespmem:s19], [sflag:$0x2], $0x80, $0x38;
	[tilespmem:$0x10080] =	vst v63  }
.Ltmp0:
0x95: {  	s19 =	sadd.s32 $0x2E80, s17;
	s20 =	sadd.s32 $0x1D0, s16;
	(pc) =	sbr.rel @p0 .LBB2_2-.Ltmp0, $4  }
0x96: {  	[hbm4b:s20+s3] =	stream.linear.scatter [tilespmem:s19], [sflag:$0x2], $0x80, $0x38;
	[tilespmem:$0x10080] =	vst v63  }
0x97: {  	s19 =	sadd.s32 $0x3680, s17;
	s20 =	sadd.s32 $0x1E0, s16;
	s17 =	sadd.s32 $0x3E80, s17  }
0x98: {  	[hbm4b:s20+s3] =	stream.linear.scatter [tilespmem:s19], [sflag:$0x2], $0x80, $0x38;
	[tilespmem:$0x10080] =	vst v63  }
0x99: {  	s20 =	sadd.s32 $0x1F0, s16;
	s16 =	sadd.s32 $0x200, s16;
	s19 =	smov.u32 s18  }
0x9a: {  	[hbm4b:s20+s3] =	stream.linear.scatter [tilespmem:s17], [sflag:$0x2], $0x80, $0x38;
	[tilespmem:$0x10080] =	vst v63  }
0x9b: {  	s25 =	sadd.s32 $0x80, s15  }
0x9c: {  	[hbm4b:s16+s3] =	stream.linear.scatter [tilespmem:s25], [sflag:$0x2], $0x80, $0x38;
	[tilespmem:$0x10080] =	vst v63  }
0x9d: {  	s26 =	sadd.s32 $0x880, s15;
	s18 =	sadd.s32 $0x10, s16  }
0x9e: {  	[hbm4b:s18+s3] =	stream.linear.scatter [tilespmem:s26], [sflag:$0x2], $0x80, $0x38;
	[tilespmem:$0x10080] =	vst v63  }
0x9f: {  	s28 =	sadd.s32 $0x1080, s15;
	s29 =	sadd.s32 $0x20, s16  }
0xa0: {  	[hbm4b:s29+s3] =	stream.linear.scatter [tilespmem:s28], [sflag:$0x2], $0x80, $0x38;
	[tilespmem:$0x10080] =	vst v63  }
0xa1: {  	s30 =	sadd.s32 $0x1880, s15;
	s31 =	sadd.s32 $0x30, s16  }
0xa2: {  	[hbm4b:s31+s3] =	stream.linear.scatter [tilespmem:s30], [sflag:$0x2], $0x80, $0x38;
	[tilespmem:$0x10080] =	vst v63  }
0xa3: {  	s19 =	sadd.s32 $0x2080, s15;
	s20 =	sadd.s32 $0x40, s16  }
0xa4: {  	[hbm4b:s20+s3] =	stream.linear.scatter [tilespmem:s19], [sflag:$0x2], $0x80, $0x38;
	[tilespmem:$0x10080] =	vst v63  }
0xa5: {  	s21 =	sadd.s32 $0x2880, s15;
	s22 =	sadd.s32 $0x50, s16  }
0xa6: {  	[hbm4b:s22+s3] =	stream.linear.scatter [tilespmem:s21], [sflag:$0x2], $0x80, $0x38;
	[tilespmem:$0x10080] =	vst v63  }
0xa7: {  	s23 =	sadd.s32 $0x3080, s15;
	s24 =	sadd.s32 $0x60, s16  }
0xa8: {  	[hbm4b:s24+s3] =	stream.linear.scatter [tilespmem:s23], [sflag:$0x2], $0x80, $0x38;
	[tilespmem:$0x10080] =	vst v63  }
0xa9: {  	s25 =	sadd.s32 $0x3880, s15;
	s26 =	sadd.s32 $0x70, s16  }
0xaa: {  	[hbm4b:s26+s3] =	stream.linear.scatter [tilespmem:s25], [sflag:$0x2], $0x80, $0x38;
	[tilespmem:$0x10080] =	vst v63  }
0xab: {  	s28 =	sadd.s32 $0x280, s15;
	s29 =	sadd.s32 $0x80, s16  }
0xac: {  	[hbm4b:s29+s3] =	stream.linear.scatter [tilespmem:s28], [sflag:$0x2], $0x80, $0x38;
	[tilespmem:$0x10080] =	vst v63  }
0xad: {  	s30 =	sadd.s32 $0xA80, s15;
	s31 =	sadd.s32 $0x90, s16  }
0xae: {  	[hbm4b:s31+s3] =	stream.linear.scatter [tilespmem:s30], [sflag:$0x2], $0x80, $0x38;
	[tilespmem:$0x10080] =	vst v63  }
0xaf: {  	s19 =	sadd.s32 $0x1280, s15;
	s20 =	sadd.s32 $0xA0, s16  }
0xb0: {  	[hbm4b:s20+s3] =	stream.linear.scatter [tilespmem:s19], [sflag:$0x2], $0x80, $0x38;
	[tilespmem:$0x10080] =	vst v63  }
0xb1: {  	s21 =	sadd.s32 $0x1A80, s15;
	s22 =	sadd.s32 $0xB0, s16  }
0xb2: {  	[hbm4b:s22+s3] =	stream.linear.scatter [tilespmem:s21], [sflag:$0x2], $0x80, $0x38;
	[tilespmem:$0x10080] =	vst v63  }
0xb3: {  	s23 =	sadd.s32 $0x2280, s15;
	s24 =	sadd.s32 $0xC0, s16  }
0xb4: {  	[hbm4b:s24+s3] =	stream.linear.scatter [tilespmem:s23], [sflag:$0x2], $0x80, $0x38;
	[tilespmem:$0x10080] =	vst v63  }
0xb5: {  	s25 =	sadd.s32 $0x2A80, s15;
	s26 =	sadd.s32 $0xD0, s16  }
0xb6: {  	[hbm4b:s26+s3] =	stream.linear.scatter [tilespmem:s25], [sflag:$0x2], $0x80, $0x38;
	[tilespmem:$0x10080] =	vst v63  }
0xb7: {  	s28 =	sadd.s32 $0x3280, s15;
	s29 =	sadd.s32 $0xE0, s16  }
0xb8: {  	[hbm4b:s29+s3] =	stream.linear.scatter [tilespmem:s28], [sflag:$0x2], $0x80, $0x38;
	[tilespmem:$0x10080] =	vst v63  }
0xb9: {  	s30 =	sadd.s32 $0x3A80, s15;
	s31 =	sadd.s32 $0xF0, s16  }
0xba: {  	[hbm4b:s31+s3] =	stream.linear.scatter [tilespmem:s30], [sflag:$0x2], $0x80, $0x38;
	[tilespmem:$0x10080] =	vst v63  }
0xbb: {  	s19 =	sadd.s32 $0x480, s15;
	s20 =	sadd.s32 $0x100, s16  }
0xbc: {  	[hbm4b:s20+s3] =	stream.linear.scatter [tilespmem:s19], [sflag:$0x2], $0x80, $0x38;
	[tilespmem:$0x10080] =	vst v63  }
0xbd: {  	s21 =	sadd.s32 $0xC80, s15;
	s22 =	sadd.s32 $0x110, s16  }
0xbe: {  	[hbm4b:s22+s3] =	stream.linear.scatter [tilespmem:s21], [sflag:$0x2], $0x80, $0x38;
	[tilespmem:$0x10080] =	vst v63  }
0xbf: {  	s23 =	sadd.s32 $0x1480, s15;
	s24 =	sadd.s32 $0x120, s16  }
0xc0: {  	[hbm4b:s24+s3] =	stream.linear.scatter [tilespmem:s23], [sflag:$0x2], $0x80, $0x38;
	[tilespmem:$0x10080] =	vst v63  }
0xc1: {  	s25 =	sadd.s32 $0x1C80, s15;
	s26 =	sadd.s32 $0x130, s16  }
0xc2: {  	[hbm4b:s26+s3] =	stream.linear.scatter [tilespmem:s25], [sflag:$0x2], $0x80, $0x38;
	[tilespmem:$0x10080] =	vst v63  }
0xc3: {  	s28 =	sadd.s32 $0x2480, s15;
	s29 =	sadd.s32 $0x140, s16  }
0xc4: {  	[hbm4b:s29+s3] =	stream.linear.scatter [tilespmem:s28], [sflag:$0x2], $0x80, $0x38;
	[tilespmem:$0x10080] =	vst v63  }
0xc5: {  	s30 =	sadd.s32 $0x2C80, s15;
	s31 =	sadd.s32 $0x150, s16  }
0xc6: {  	[hbm4b:s31+s3] =	stream.linear.scatter [tilespmem:s30], [sflag:$0x2], $0x80, $0x38;
	[tilespmem:$0x10080] =	vst v63  }
0xc7: {  	s19 =	sadd.s32 $0x3480, s15;
	s20 =	sadd.s32 $0x160, s16  }
0xc8: {  	[hbm4b:s20+s3] =	stream.linear.scatter [tilespmem:s19], [sflag:$0x2], $0x80, $0x38;
	[tilespmem:$0x10080] =	vst v63  }
0xc9: {  	s21 =	sadd.s32 $0x3C80, s15;
	s22 =	sadd.s32 $0x170, s16  }
0xca: {  	[hbm4b:s22+s3] =	stream.linear.scatter [tilespmem:s21], [sflag:$0x2], $0x80, $0x38;
	[tilespmem:$0x10080] =	vst v63  }
0xcb: {  	s23 =	sadd.s32 $0x680, s15;
	s24 =	sadd.s32 $0x180, s16  }
0xcc: {  	[hbm4b:s24+s3] =	stream.linear.scatter [tilespmem:s23], [sflag:$0x2], $0x80, $0x38;
	[tilespmem:$0x10080] =	vst v63  }
0xcd: {  	s25 =	sadd.s32 $0xE80, s15;
	s26 =	sadd.s32 $0x190, s16  }
0xce: {  	[hbm4b:s26+s3] =	stream.linear.scatter [tilespmem:s25], [sflag:$0x2], $0x80, $0x38;
	[tilespmem:$0x10080] =	vst v63  }
0xcf: {  	s28 =	sadd.s32 $0x1680, s15;
	s29 =	sadd.s32 $0x1A0, s16  }
0xd0: {  	[hbm4b:s29+s3] =	stream.linear.scatter [tilespmem:s28], [sflag:$0x2], $0x80, $0x38;
	[tilespmem:$0x10080] =	vst v63  }
0xd1: {  	s30 =	sadd.s32 $0x1E80, s15;
	s31 =	sadd.s32 $0x1B0, s16  }
0xd2: {  	[hbm4b:s31+s3] =	stream.linear.scatter [tilespmem:s30], [sflag:$0x2], $0x80, $0x38;
	[tilespmem:$0x10080] =	vst v63  }
0xd3: {  	s18 =	sadd.s32 $0x2680, s15;
	s19 =	sadd.s32 $0x1C0, s16  }
0xd4: {  	[hbm4b:s19+s3] =	stream.linear.scatter [tilespmem:s18], [sflag:$0x2], $0x80, $0x38;
	[tilespmem:$0x10080] =	vst v63  }
0xd5: {  	s20 =	sadd.s32 $0x2E80, s15;
	s21 =	sadd.s32 $0x1D0, s16  }
0xd6: {  	[hbm4b:s21+s3] =	stream.linear.scatter [tilespmem:s20], [sflag:$0x2], $0x80, $0x38;
	[tilespmem:$0x10080] =	vst v63  }
0xd7: {  	s22 =	sadd.s32 $0x3680, s15;
	s23 =	sadd.s32 $0x1E0, s16  }
0xd8: {  	[hbm4b:s23+s3] =	stream.linear.scatter [tilespmem:s22], [sflag:$0x2], $0x80, $0x38;
	[tilespmem:$0x10080] =	vst v63  }
0xd9: {  	s24 =	sadd.s32 $0x3E80, s15;
	s25 =	sadd.s32 $0x1F0, s16  }
0xda: {  	[hbm4b:s25+s3] =	stream.linear.scatter [tilespmem:s24], [sflag:$0x2], $0x80, $0x38;
	[tilespmem:$0x10080] =	vst v63  }
0xdb: {  	_ =	swait.ge [sflag:s10], $0x4000  }
0xdc: {  	[sflag:s10] =	ssyncset.done $0x0  }
0xdd: {  	s26 =	simm.s32 $0x100;
	[sflag:s10] =	ssyncadd.s32 $0xFFFFC000  }
0xde: {  	[hbm4b:s6+s3] =	stream.linear.scatter [tilespmem:s26], [sflag:$0x2], $0x80, $0x38;
	[tilespmem:$0x10080] =	vst v63  }
0xdf: {  	s28 =	simm.s32 $0x900;
	s29 =	sadd.s32 $0x10, s6  }
0xe0: {  	[hbm4b:s29+s3] =	stream.linear.scatter [tilespmem:s28], [sflag:$0x2], $0x80, $0x38;
	[tilespmem:$0x10080] =	vst v63  }
0xe1: {  	s30 =	simm.s32 $0x1100;
	s31 =	sadd.s32 $0x20, s6  }
0xe2: {  	[hbm4b:s31+s3] =	stream.linear.scatter [tilespmem:s30], [sflag:$0x2], $0x80, $0x38;
	[tilespmem:$0x10080] =	vst v63  }
0xe3: {  	s17 =	simm.s32 $0x1900;
	s18 =	sadd.s32 $0x30, s6  }
0xe4: {  	[hbm4b:s18+s3] =	stream.linear.scatter [tilespmem:s17], [sflag:$0x2], $0x80, $0x38;
	[tilespmem:$0x10080] =	vst v63  }
0xe5: {  	s19 =	simm.s32 $0x2100;
	s20 =	sadd.s32 $0x40, s6  }
0xe6: {  	[hbm4b:s20+s3] =	stream.linear.scatter [tilespmem:s19], [sflag:$0x2], $0x80, $0x38;
	[tilespmem:$0x10080] =	vst v63  }
0xe7: {  	s21 =	simm.s32 $0x2900;
	s22 =	sadd.s32 $0x50, s6  }
0xe8: {  	[hbm4b:s22+s3] =	stream.linear.scatter [tilespmem:s21], [sflag:$0x2], $0x80, $0x38;
	[tilespmem:$0x10080] =	vst v63  }
0xe9: {  	s23 =	simm.s32 $0x3100;
	s24 =	sadd.s32 $0x60, s6  }
0xea: {  	[hbm4b:s24+s3] =	stream.linear.scatter [tilespmem:s23], [sflag:$0x2], $0x80, $0x38;
	[tilespmem:$0x10080] =	vst v63  }
0xeb: {  	s25 =	simm.s32 $0x3900;
	s26 =	sadd.s32 $0x70, s6  }
0xec: {  	[hbm4b:s26+s3] =	stream.linear.scatter [tilespmem:s25], [sflag:$0x2], $0x80, $0x38;
	[tilespmem:$0x10080] =	vst v63  }
0xed: {  	s28 =	simm.s32 $0x300;
	s29 =	sadd.s32 $0x80, s6  }
0xee: {  	[hbm4b:s29+s3] =	stream.linear.scatter [tilespmem:s28], [sflag:$0x2], $0x80, $0x38;
	[tilespmem:$0x10080] =	vst v63  }
0xef: {  	s30 =	simm.s32 $0xB00;
	s31 =	sadd.s32 $0x90, s6  }
0xf0: {  	[hbm4b:s31+s3] =	stream.linear.scatter [tilespmem:s30], [sflag:$0x2], $0x80, $0x38;
	[tilespmem:$0x10080] =	vst v63  }
0xf1: {  	s17 =	simm.s32 $0x1300;
	s18 =	sadd.s32 $0xA0, s6  }
0xf2: {  	[hbm4b:s18+s3] =	stream.linear.scatter [tilespmem:s17], [sflag:$0x2], $0x80, $0x38;
	[tilespmem:$0x10080] =	vst v63  }
0xf3: {  	s19 =	simm.s32 $0x1B00;
	s20 =	sadd.s32 $0xB0, s6  }
0xf4: {  	[hbm4b:s20+s3] =	stream.linear.scatter [tilespmem:s19], [sflag:$0x2], $0x80, $0x38;
	[tilespmem:$0x10080] =	vst v63  }
0xf5: {  	s21 =	simm.s32 $0x2300;
	s22 =	sadd.s32 $0xC0, s6  }
0xf6: {  	[hbm4b:s22+s3] =	stream.linear.scatter [tilespmem:s21], [sflag:$0x2], $0x80, $0x38;
	[tilespmem:$0x10080] =	vst v63  }
0xf7: {  	s23 =	simm.s32 $0x2B00;
	s24 =	sadd.s32 $0xD0, s6  }
0xf8: {  	[hbm4b:s24+s3] =	stream.linear.scatter [tilespmem:s23], [sflag:$0x2], $0x80, $0x38;
	[tilespmem:$0x10080] =	vst v63  }
0xf9: {  	s25 =	simm.s32 $0x3300;
	s26 =	sadd.s32 $0xE0, s6  }
0xfa: {  	[hbm4b:s26+s3] =	stream.linear.scatter [tilespmem:s25], [sflag:$0x2], $0x80, $0x38;
	[tilespmem:$0x10080] =	vst v63  }
0xfb: {  	s28 =	simm.s32 $0x3B00;
	s29 =	sadd.s32 $0xF0, s6  }
0xfc: {  	[hbm4b:s29+s3] =	stream.linear.scatter [tilespmem:s28], [sflag:$0x2], $0x80, $0x38;
	[tilespmem:$0x10080] =	vst v63  }
0xfd: {  	s30 =	simm.s32 $0x500;
	s31 =	sadd.s32 $0x100, s6  }
0xfe: {  	[hbm4b:s31+s3] =	stream.linear.scatter [tilespmem:s30], [sflag:$0x2], $0x80, $0x38;
	[tilespmem:$0x10080] =	vst v63  }
0xff: {  	s17 =	simm.s32 $0xD00;
	s18 =	sadd.s32 $0x110, s6  }
0x100: {  	[hbm4b:s18+s3] =	stream.linear.scatter [tilespmem:s17], [sflag:$0x2], $0x80, $0x38;
	[tilespmem:$0x10080] =	vst v63  }
0x101: {  	s19 =	simm.s32 $0x1500;
	s20 =	sadd.s32 $0x120, s6  }
0x102: {  	[hbm4b:s20+s3] =	stream.linear.scatter [tilespmem:s19], [sflag:$0x2], $0x80, $0x38;
	[tilespmem:$0x10080] =	vst v63  }
0x103: {  	s21 =	simm.s32 $0x1D00;
	s22 =	sadd.s32 $0x130, s6  }
0x104: {  	[hbm4b:s22+s3] =	stream.linear.scatter [tilespmem:s21], [sflag:$0x2], $0x80, $0x38;
	[tilespmem:$0x10080] =	vst v63  }
0x105: {  	s23 =	simm.s32 $0x2500;
	s24 =	sadd.s32 $0x140, s6  }
0x106: {  	[hbm4b:s24+s3] =	stream.linear.scatter [tilespmem:s23], [sflag:$0x2], $0x80, $0x38;
	[tilespmem:$0x10080] =	vst v63  }
0x107: {  	s25 =	simm.s32 $0x2D00;
	s26 =	sadd.s32 $0x150, s6  }
0x108: {  	[hbm4b:s26+s3] =	stream.linear.scatter [tilespmem:s25], [sflag:$0x2], $0x80, $0x38;
	[tilespmem:$0x10080] =	vst v63  }
0x109: {  	s28 =	simm.s32 $0x3500;
	s29 =	sadd.s32 $0x160, s6  }
0x10a: {  	[hbm4b:s29+s3] =	stream.linear.scatter [tilespmem:s28], [sflag:$0x2], $0x80, $0x38;
	[tilespmem:$0x10080] =	vst v63  }
0x10b: {  	s30 =	simm.s32 $0x3D00;
	s31 =	sadd.s32 $0x170, s6  }
0x10c: {  	[hbm4b:s31+s3] =	stream.linear.scatter [tilespmem:s30], [sflag:$0x2], $0x80, $0x38;
	[tilespmem:$0x10080] =	vst v63  }
0x10d: {  	s17 =	simm.s32 $0x700;
	s18 =	sadd.s32 $0x180, s6  }
0x10e: {  	[hbm4b:s18+s3] =	stream.linear.scatter [tilespmem:s17], [sflag:$0x2], $0x80, $0x38;
	[tilespmem:$0x10080] =	vst v63  }
0x10f: {  	s19 =	simm.s32 $0xF00;
	s20 =	sadd.s32 $0x190, s6  }
0x110: {  	[hbm4b:s20+s3] =	stream.linear.scatter [tilespmem:s19], [sflag:$0x2], $0x80, $0x38;
	[tilespmem:$0x10080] =	vst v63  }
0x111: {  	s15 =	simm.s32 $0x4000;
	s21 =	simm.s32 $0x1700;
	s22 =	sadd.s32 $0x1A0, s6  }
0x112: {  	[hbm4b:s22+s3] =	stream.linear.scatter [tilespmem:s21], [sflag:$0x2], $0x80, $0x38;
	[tilespmem:$0x10080] =	vst v63  }
0x113: {  	s16 =	sadd.s32 $0x200, s6;
	s23 =	simm.s32 $0x1F00;
	s24 =	sadd.s32 $0x1B0, s6  }
0x114: {  	[hbm4b:s24+s3] =	stream.linear.scatter [tilespmem:s23], [sflag:$0x2], $0x80, $0x38;
	[tilespmem:$0x10080] =	vst v63  }
0x115: {  	s25 =	simm.s32 $0x2700;
	s26 =	sadd.s32 $0x1C0, s6;
	s28 =	simm.s32 $0x2F00  }
0x116: {  	[hbm4b:s26+s3] =	stream.linear.scatter [tilespmem:s25], [sflag:$0x2], $0x80, $0x38;
	[tilespmem:$0x10080] =	vst v63  }
0x117: {  	s29 =	sadd.s32 $0x1D0, s6;
	s30 =	simm.s32 $0x3700;
	s31 =	sadd.s32 $0x1E0, s6  }
0x118: {  	[hbm4b:s29+s3] =	stream.linear.scatter [tilespmem:s28], [sflag:$0x2], $0x80, $0x38;
	[tilespmem:$0x10080] =	vst v63  }
0x119: {  	s17 =	simm.s32 $0x3F00;
	s19 =	simm.s32 $0x20000;
	s20 =	sadd.s32 $0x1F0, s6  }
0x11a: {  	[hbm4b:s31+s3] =	stream.linear.scatter [tilespmem:s30], [sflag:$0x2], $0x80, $0x38;
	[tilespmem:$0x10080] =	vst v63  }
.LBB2_4:
0x11b: {  	[hbm4b:s20+s3] =	stream.linear.scatter [tilespmem:s17], [sflag:$0x2], $0x80, $0x38;
	[tilespmem:$0x10080] =	vst v63  }
0x11c: {  	s17 =	smov.u32 s15;
	s15 =	smov.u32 s19  }
0x11d: {  	s18 =	sadd.s32 $0x10000, s19;
	s15 =	sshra.s32 s15, $0x2;
	s20 =	sadd.s32 $0x100, s17  }
0x11e: {  	[hbm4b:s16+s3] =	stream.linear.scatter [tilespmem:s20], [sflag:$0x2], $0x80, $0x38;
	[tilespmem:$0x10080] =	vst v63  }
0x11f: {  	p0 =	sne.s32 s19, $0x30000;
	s19 =	sadd.s32 $0x900, s17;
	s20 =	sadd.s32 $0x10, s16  }
0x120: {  	[hbm4b:s20+s3] =	stream.linear.scatter [tilespmem:s19], [sflag:$0x2], $0x80, $0x38;
	[tilespmem:$0x10080] =	vst v63  }
0x121: {  	s19 =	sadd.s32 $0x1100, s17;
	s20 =	sadd.s32 $0x20, s16  }
0x122: {  	[hbm4b:s20+s3] =	stream.linear.scatter [tilespmem:s19], [sflag:$0x2], $0x80, $0x38;
	[tilespmem:$0x10080] =	vst v63  }
0x123: {  	s19 =	sadd.s32 $0x1900, s17;
	s20 =	sadd.s32 $0x30, s16  }
0x124: {  	[hbm4b:s20+s3] =	stream.linear.scatter [tilespmem:s19], [sflag:$0x2], $0x80, $0x38;
	[tilespmem:$0x10080] =	vst v63  }
0x125: {  	s19 =	sadd.s32 $0x2100, s17;
	s20 =	sadd.s32 $0x40, s16  }
0x126: {  	[hbm4b:s20+s3] =	stream.linear.scatter [tilespmem:s19], [sflag:$0x2], $0x80, $0x38;
	[tilespmem:$0x10080] =	vst v63  }
0x127: {  	s19 =	sadd.s32 $0x2900, s17;
	s20 =	sadd.s32 $0x50, s16  }
0x128: {  	[hbm4b:s20+s3] =	stream.linear.scatter [tilespmem:s19], [sflag:$0x2], $0x80, $0x38;
	[tilespmem:$0x10080] =	vst v63  }
0x129: {  	s19 =	sadd.s32 $0x3100, s17;
	s20 =	sadd.s32 $0x60, s16  }
0x12a: {  	[hbm4b:s20+s3] =	stream.linear.scatter [tilespmem:s19], [sflag:$0x2], $0x80, $0x38;
	[tilespmem:$0x10080] =	vst v63  }
0x12b: {  	s19 =	sadd.s32 $0x3900, s17;
	s20 =	sadd.s32 $0x70, s16  }
0x12c: {  	[hbm4b:s20+s3] =	stream.linear.scatter [tilespmem:s19], [sflag:$0x2], $0x80, $0x38;
	[tilespmem:$0x10080] =	vst v63  }
0x12d: {  	s19 =	sadd.s32 $0x300, s17;
	s20 =	sadd.s32 $0x80, s16  }
0x12e: {  	[hbm4b:s20+s3] =	stream.linear.scatter [tilespmem:s19], [sflag:$0x2], $0x80, $0x38;
	[tilespmem:$0x10080] =	vst v63  }
0x12f: {  	s19 =	sadd.s32 $0xB00, s17;
	s20 =	sadd.s32 $0x90, s16  }
0x130: {  	[hbm4b:s20+s3] =	stream.linear.scatter [tilespmem:s19], [sflag:$0x2], $0x80, $0x38;
	[tilespmem:$0x10080] =	vst v63  }
0x131: {  	s19 =	sadd.s32 $0x1300, s17;
	s20 =	sadd.s32 $0xA0, s16  }
0x132: {  	[hbm4b:s20+s3] =	stream.linear.scatter [tilespmem:s19], [sflag:$0x2], $0x80, $0x38;
	[tilespmem:$0x10080] =	vst v63  }
0x133: {  	s19 =	sadd.s32 $0x1B00, s17;
	s20 =	sadd.s32 $0xB0, s16  }
0x134: {  	[hbm4b:s20+s3] =	stream.linear.scatter [tilespmem:s19], [sflag:$0x2], $0x80, $0x38;
	[tilespmem:$0x10080] =	vst v63  }
0x135: {  	s19 =	sadd.s32 $0x2300, s17;
	s20 =	sadd.s32 $0xC0, s16  }
0x136: {  	[hbm4b:s20+s3] =	stream.linear.scatter [tilespmem:s19], [sflag:$0x2], $0x80, $0x38;
	[tilespmem:$0x10080] =	vst v63  }
0x137: {  	s19 =	sadd.s32 $0x2B00, s17;
	s20 =	sadd.s32 $0xD0, s16  }
0x138: {  	[hbm4b:s20+s3] =	stream.linear.scatter [tilespmem:s19], [sflag:$0x2], $0x80, $0x38;
	[tilespmem:$0x10080] =	vst v63  }
0x139: {  	s19 =	sadd.s32 $0x3300, s17;
	s20 =	sadd.s32 $0xE0, s16  }
0x13a: {  	[hbm4b:s20+s3] =	stream.linear.scatter [tilespmem:s19], [sflag:$0x2], $0x80, $0x38;
	[tilespmem:$0x10080] =	vst v63  }
0x13b: {  	s19 =	sadd.s32 $0x3B00, s17;
	s20 =	sadd.s32 $0xF0, s16  }
0x13c: {  	[hbm4b:s20+s3] =	stream.linear.scatter [tilespmem:s19], [sflag:$0x2], $0x80, $0x38;
	[tilespmem:$0x10080] =	vst v63  }
0x13d: {  	s19 =	sadd.s32 $0x500, s17;
	s20 =	sadd.s32 $0x100, s16  }
0x13e: {  	[hbm4b:s20+s3] =	stream.linear.scatter [tilespmem:s19], [sflag:$0x2], $0x80, $0x38;
	[tilespmem:$0x10080] =	vst v63  }
0x13f: {  	s19 =	sadd.s32 $0xD00, s17;
	s20 =	sadd.s32 $0x110, s16  }
0x140: {  	[hbm4b:s20+s3] =	stream.linear.scatter [tilespmem:s19], [sflag:$0x2], $0x80, $0x38;
	[tilespmem:$0x10080] =	vst v63  }
0x141: {  	s19 =	sadd.s32 $0x1500, s17;
	s20 =	sadd.s32 $0x120, s16  }
0x142: {  	[hbm4b:s20+s3] =	stream.linear.scatter [tilespmem:s19], [sflag:$0x2], $0x80, $0x38;
	[tilespmem:$0x10080] =	vst v63  }
0x143: {  	s19 =	sadd.s32 $0x1D00, s17;
	s20 =	sadd.s32 $0x130, s16  }
0x144: {  	[hbm4b:s20+s3] =	stream.linear.scatter [tilespmem:s19], [sflag:$0x2], $0x80, $0x38;
	[tilespmem:$0x10080] =	vst v63  }
0x145: {  	s19 =	sadd.s32 $0x2500, s17;
	s20 =	sadd.s32 $0x140, s16  }
0x146: {  	[hbm4b:s20+s3] =	stream.linear.scatter [tilespmem:s19], [sflag:$0x2], $0x80, $0x38;
	[tilespmem:$0x10080] =	vst v63  }
0x147: {  	s19 =	sadd.s32 $0x2D00, s17;
	s20 =	sadd.s32 $0x150, s16  }
0x148: {  	[hbm4b:s20+s3] =	stream.linear.scatter [tilespmem:s19], [sflag:$0x2], $0x80, $0x38;
	[tilespmem:$0x10080] =	vst v63  }
0x149: {  	s19 =	sadd.s32 $0x3500, s17;
	s20 =	sadd.s32 $0x160, s16  }
0x14a: {  	[hbm4b:s20+s3] =	stream.linear.scatter [tilespmem:s19], [sflag:$0x2], $0x80, $0x38;
	[tilespmem:$0x10080] =	vst v63  }
0x14b: {  	s19 =	sadd.s32 $0x3D00, s17;
	s20 =	sadd.s32 $0x170, s16  }
0x14c: {  	[hbm4b:s20+s3] =	stream.linear.scatter [tilespmem:s19], [sflag:$0x2], $0x80, $0x38;
	[tilespmem:$0x10080] =	vst v63  }
0x14d: {  	s19 =	sadd.s32 $0x700, s17;
	s20 =	sadd.s32 $0x180, s16  }
0x14e: {  	[hbm4b:s20+s3] =	stream.linear.scatter [tilespmem:s19], [sflag:$0x2], $0x80, $0x38;
	[tilespmem:$0x10080] =	vst v63  }
0x14f: {  	s19 =	sadd.s32 $0xF00, s17;
	s20 =	sadd.s32 $0x190, s16  }
0x150: {  	[hbm4b:s20+s3] =	stream.linear.scatter [tilespmem:s19], [sflag:$0x2], $0x80, $0x38;
	[tilespmem:$0x10080] =	vst v63  }
0x151: {  	s19 =	sadd.s32 $0x1700, s17;
	s20 =	sadd.s32 $0x1A0, s16  }
0x152: {  	[hbm4b:s20+s3] =	stream.linear.scatter [tilespmem:s19], [sflag:$0x2], $0x80, $0x38;
	[tilespmem:$0x10080] =	vst v63  }
0x153: {  	s19 =	sadd.s32 $0x1F00, s17;
	s20 =	sadd.s32 $0x1B0, s16  }
0x154: {  	[hbm4b:s20+s3] =	stream.linear.scatter [tilespmem:s19], [sflag:$0x2], $0x80, $0x38;
	[tilespmem:$0x10080] =	vst v63  }
0x155: {  	s19 =	sadd.s32 $0x2700, s17;
	s20 =	sadd.s32 $0x1C0, s16  }
0x156: {  	[hbm4b:s20+s3] =	stream.linear.scatter [tilespmem:s19], [sflag:$0x2], $0x80, $0x38;
	[tilespmem:$0x10080] =	vst v63  }
.Ltmp1:
0x157: {  	s19 =	sadd.s32 $0x2F00, s17;
	s20 =	sadd.s32 $0x1D0, s16;
	(pc) =	sbr.rel @p0 .LBB2_4-.Ltmp1, $4  }
0x158: {  	[hbm4b:s20+s3] =	stream.linear.scatter [tilespmem:s19], [sflag:$0x2], $0x80, $0x38;
	[tilespmem:$0x10080] =	vst v63  }
0x159: {  	s19 =	sadd.s32 $0x3700, s17;
	s20 =	sadd.s32 $0x1E0, s16;
	s17 =	sadd.s32 $0x3F00, s17  }
0x15a: {  	[hbm4b:s20+s3] =	stream.linear.scatter [tilespmem:s19], [sflag:$0x2], $0x80, $0x38;
	[tilespmem:$0x10080] =	vst v63  }
0x15b: {  	s20 =	sadd.s32 $0x1F0, s16;
	s16 =	sadd.s32 $0x200, s16;
	s19 =	smov.u32 s18  }
0x15c: {  	[hbm4b:s20+s3] =	stream.linear.scatter [tilespmem:s17], [sflag:$0x2], $0x80, $0x38;
	[tilespmem:$0x10080] =	vst v63  }
0x15d: {  	s25 =	sadd.s32 $0x100, s15  }
0x15e: {  	[hbm4b:s16+s3] =	stream.linear.scatter [tilespmem:s25], [sflag:$0x2], $0x80, $0x38;
	[tilespmem:$0x10080] =	vst v63  }
0x15f: {  	s26 =	sadd.s32 $0x900, s15;
	s18 =	sadd.s32 $0x10, s16  }
0x160: {  	[hbm4b:s18+s3] =	stream.linear.scatter [tilespmem:s26], [sflag:$0x2], $0x80, $0x38;
	[tilespmem:$0x10080] =	vst v63  }
0x161: {  	s28 =	sadd.s32 $0x1100, s15;
	s29 =	sadd.s32 $0x20, s16  }
0x162: {  	[hbm4b:s29+s3] =	stream.linear.scatter [tilespmem:s28], [sflag:$0x2], $0x80, $0x38;
	[tilespmem:$0x10080] =	vst v63  }
0x163: {  	s30 =	sadd.s32 $0x1900, s15;
	s31 =	sadd.s32 $0x30, s16  }
0x164: {  	[hbm4b:s31+s3] =	stream.linear.scatter [tilespmem:s30], [sflag:$0x2], $0x80, $0x38;
	[tilespmem:$0x10080] =	vst v63  }
0x165: {  	s19 =	sadd.s32 $0x2100, s15;
	s20 =	sadd.s32 $0x40, s16  }
0x166: {  	[hbm4b:s20+s3] =	stream.linear.scatter [tilespmem:s19], [sflag:$0x2], $0x80, $0x38;
	[tilespmem:$0x10080] =	vst v63  }
0x167: {  	s21 =	sadd.s32 $0x2900, s15;
	s22 =	sadd.s32 $0x50, s16  }
0x168: {  	[hbm4b:s22+s3] =	stream.linear.scatter [tilespmem:s21], [sflag:$0x2], $0x80, $0x38;
	[tilespmem:$0x10080] =	vst v63  }
0x169: {  	s23 =	sadd.s32 $0x3100, s15;
	s24 =	sadd.s32 $0x60, s16  }
0x16a: {  	[hbm4b:s24+s3] =	stream.linear.scatter [tilespmem:s23], [sflag:$0x2], $0x80, $0x38;
	[tilespmem:$0x10080] =	vst v63  }
0x16b: {  	s25 =	sadd.s32 $0x3900, s15;
	s26 =	sadd.s32 $0x70, s16  }
0x16c: {  	[hbm4b:s26+s3] =	stream.linear.scatter [tilespmem:s25], [sflag:$0x2], $0x80, $0x38;
	[tilespmem:$0x10080] =	vst v63  }
0x16d: {  	s28 =	sadd.s32 $0x300, s15;
	s29 =	sadd.s32 $0x80, s16  }
0x16e: {  	[hbm4b:s29+s3] =	stream.linear.scatter [tilespmem:s28], [sflag:$0x2], $0x80, $0x38;
	[tilespmem:$0x10080] =	vst v63  }
0x16f: {  	s30 =	sadd.s32 $0xB00, s15;
	s31 =	sadd.s32 $0x90, s16  }
0x170: {  	[hbm4b:s31+s3] =	stream.linear.scatter [tilespmem:s30], [sflag:$0x2], $0x80, $0x38;
	[tilespmem:$0x10080] =	vst v63  }
0x171: {  	s19 =	sadd.s32 $0x1300, s15;
	s20 =	sadd.s32 $0xA0, s16  }
0x172: {  	[hbm4b:s20+s3] =	stream.linear.scatter [tilespmem:s19], [sflag:$0x2], $0x80, $0x38;
	[tilespmem:$0x10080] =	vst v63  }
0x173: {  	s21 =	sadd.s32 $0x1B00, s15;
	s22 =	sadd.s32 $0xB0, s16  }
0x174: {  	[hbm4b:s22+s3] =	stream.linear.scatter [tilespmem:s21], [sflag:$0x2], $0x80, $0x38;
	[tilespmem:$0x10080] =	vst v63  }
0x175: {  	s23 =	sadd.s32 $0x2300, s15;
	s24 =	sadd.s32 $0xC0, s16  }
0x176: {  	[hbm4b:s24+s3] =	stream.linear.scatter [tilespmem:s23], [sflag:$0x2], $0x80, $0x38;
	[tilespmem:$0x10080] =	vst v63  }
0x177: {  	s25 =	sadd.s32 $0x2B00, s15;
	s26 =	sadd.s32 $0xD0, s16  }
0x178: {  	[hbm4b:s26+s3] =	stream.linear.scatter [tilespmem:s25], [sflag:$0x2], $0x80, $0x38;
	[tilespmem:$0x10080] =	vst v63  }
0x179: {  	s28 =	sadd.s32 $0x3300, s15;
	s29 =	sadd.s32 $0xE0, s16  }
0x17a: {  	[hbm4b:s29+s3] =	stream.linear.scatter [tilespmem:s28], [sflag:$0x2], $0x80, $0x38;
	[tilespmem:$0x10080] =	vst v63  }
0x17b: {  	s30 =	sadd.s32 $0x3B00, s15;
	s31 =	sadd.s32 $0xF0, s16  }
0x17c: {  	[hbm4b:s31+s3] =	stream.linear.scatter [tilespmem:s30], [sflag:$0x2], $0x80, $0x38;
	[tilespmem:$0x10080] =	vst v63  }
0x17d: {  	s19 =	sadd.s32 $0x500, s15;
	s20 =	sadd.s32 $0x100, s16  }
0x17e: {  	[hbm4b:s20+s3] =	stream.linear.scatter [tilespmem:s19], [sflag:$0x2], $0x80, $0x38;
	[tilespmem:$0x10080] =	vst v63  }
0x17f: {  	s21 =	sadd.s32 $0xD00, s15;
	s22 =	sadd.s32 $0x110, s16  }
0x180: {  	[hbm4b:s22+s3] =	stream.linear.scatter [tilespmem:s21], [sflag:$0x2], $0x80, $0x38;
	[tilespmem:$0x10080] =	vst v63  }
0x181: {  	s23 =	sadd.s32 $0x1500, s15;
	s24 =	sadd.s32 $0x120, s16  }
0x182: {  	[hbm4b:s24+s3] =	stream.linear.scatter [tilespmem:s23], [sflag:$0x2], $0x80, $0x38;
	[tilespmem:$0x10080] =	vst v63  }
0x183: {  	s25 =	sadd.s32 $0x1D00, s15;
	s26 =	sadd.s32 $0x130, s16  }
0x184: {  	[hbm4b:s26+s3] =	stream.linear.scatter [tilespmem:s25], [sflag:$0x2], $0x80, $0x38;
	[tilespmem:$0x10080] =	vst v63  }
0x185: {  	s28 =	sadd.s32 $0x2500, s15;
	s29 =	sadd.s32 $0x140, s16  }
0x186: {  	[hbm4b:s29+s3] =	stream.linear.scatter [tilespmem:s28], [sflag:$0x2], $0x80, $0x38;
	[tilespmem:$0x10080] =	vst v63  }
0x187: {  	s30 =	sadd.s32 $0x2D00, s15;
	s31 =	sadd.s32 $0x150, s16  }
0x188: {  	[hbm4b:s31+s3] =	stream.linear.scatter [tilespmem:s30], [sflag:$0x2], $0x80, $0x38;
	[tilespmem:$0x10080] =	vst v63  }
0x189: {  	s19 =	sadd.s32 $0x3500, s15;
	s20 =	sadd.s32 $0x160, s16  }
0x18a: {  	[hbm4b:s20+s3] =	stream.linear.scatter [tilespmem:s19], [sflag:$0x2], $0x80, $0x38;
	[tilespmem:$0x10080] =	vst v63  }
0x18b: {  	s21 =	sadd.s32 $0x3D00, s15;
	s22 =	sadd.s32 $0x170, s16  }
0x18c: {  	[hbm4b:s22+s3] =	stream.linear.scatter [tilespmem:s21], [sflag:$0x2], $0x80, $0x38;
	[tilespmem:$0x10080] =	vst v63  }
0x18d: {  	s23 =	sadd.s32 $0x700, s15;
	s24 =	sadd.s32 $0x180, s16  }
0x18e: {  	[hbm4b:s24+s3] =	stream.linear.scatter [tilespmem:s23], [sflag:$0x2], $0x80, $0x38;
	[tilespmem:$0x10080] =	vst v63  }
0x18f: {  	s25 =	sadd.s32 $0xF00, s15;
	s26 =	sadd.s32 $0x190, s16  }
0x190: {  	[hbm4b:s26+s3] =	stream.linear.scatter [tilespmem:s25], [sflag:$0x2], $0x80, $0x38;
	[tilespmem:$0x10080] =	vst v63  }
0x191: {  	s28 =	sadd.s32 $0x1700, s15;
	s29 =	sadd.s32 $0x1A0, s16  }
0x192: {  	[hbm4b:s29+s3] =	stream.linear.scatter [tilespmem:s28], [sflag:$0x2], $0x80, $0x38;
	[tilespmem:$0x10080] =	vst v63  }
0x193: {  	s30 =	sadd.s32 $0x1F00, s15;
	s31 =	sadd.s32 $0x1B0, s16  }
0x194: {  	[hbm4b:s31+s3] =	stream.linear.scatter [tilespmem:s30], [sflag:$0x2], $0x80, $0x38;
	[tilespmem:$0x10080] =	vst v63  }
0x195: {  	s18 =	sadd.s32 $0x2700, s15;
	s19 =	sadd.s32 $0x1C0, s16  }
0x196: {  	[hbm4b:s19+s3] =	stream.linear.scatter [tilespmem:s18], [sflag:$0x2], $0x80, $0x38;
	[tilespmem:$0x10080] =	vst v63  }
0x197: {  	s20 =	sadd.s32 $0x2F00, s15;
	s21 =	sadd.s32 $0x1D0, s16  }
0x198: {  	[hbm4b:s21+s3] =	stream.linear.scatter [tilespmem:s20], [sflag:$0x2], $0x80, $0x38;
	[tilespmem:$0x10080] =	vst v63  }
0x199: {  	s22 =	sadd.s32 $0x3700, s15;
	s23 =	sadd.s32 $0x1E0, s16  }
0x19a: {  	[hbm4b:s23+s3] =	stream.linear.scatter [tilespmem:s22], [sflag:$0x2], $0x80, $0x38;
	[tilespmem:$0x10080] =	vst v63  }
0x19b: {  	s24 =	sadd.s32 $0x3F00, s15;
	s25 =	sadd.s32 $0x1F0, s16  }
0x19c: {  	[hbm4b:s25+s3] =	stream.linear.scatter [tilespmem:s24], [sflag:$0x2], $0x80, $0x38;
	[tilespmem:$0x10080] =	vst v63  }
0x19d: {  	_ =	swait.ge [sflag:s10], $0x4000  }
0x19e: {  	[sflag:s10] =	ssyncset.done $0x0  }
0x19f: {  	s26 =	simm.s32 $0x180;
	[sflag:s10] =	ssyncadd.s32 $0xFFFFC000  }
0x1a0: {  	[hbm4b:s7+s3] =	stream.linear.scatter [tilespmem:s26], [sflag:$0x2], $0x80, $0x38;
	[tilespmem:$0x10080] =	vst v63  }
0x1a1: {  	s28 =	simm.s32 $0x980;
	s29 =	sadd.s32 $0x10, s7  }
0x1a2: {  	[hbm4b:s29+s3] =	stream.linear.scatter [tilespmem:s28], [sflag:$0x2], $0x80, $0x38;
	[tilespmem:$0x10080] =	vst v63  }
0x1a3: {  	s30 =	simm.s32 $0x1180;
	s31 =	sadd.s32 $0x20, s7  }
0x1a4: {  	[hbm4b:s31+s3] =	stream.linear.scatter [tilespmem:s30], [sflag:$0x2], $0x80, $0x38;
	[tilespmem:$0x10080] =	vst v63  }
0x1a5: {  	s17 =	simm.s32 $0x1980;
	s18 =	sadd.s32 $0x30, s7  }
0x1a6: {  	[hbm4b:s18+s3] =	stream.linear.scatter [tilespmem:s17], [sflag:$0x2], $0x80, $0x38;
	[tilespmem:$0x10080] =	vst v63  }
0x1a7: {  	s19 =	simm.s32 $0x2180;
	s20 =	sadd.s32 $0x40, s7  }
0x1a8: {  	[hbm4b:s20+s3] =	stream.linear.scatter [tilespmem:s19], [sflag:$0x2], $0x80, $0x38;
	[tilespmem:$0x10080] =	vst v63  }
0x1a9: {  	s21 =	simm.s32 $0x2980;
	s22 =	sadd.s32 $0x50, s7  }
0x1aa: {  	[hbm4b:s22+s3] =	stream.linear.scatter [tilespmem:s21], [sflag:$0x2], $0x80, $0x38;
	[tilespmem:$0x10080] =	vst v63  }
0x1ab: {  	s23 =	simm.s32 $0x3180;
	s24 =	sadd.s32 $0x60, s7  }
0x1ac: {  	[hbm4b:s24+s3] =	stream.linear.scatter [tilespmem:s23], [sflag:$0x2], $0x80, $0x38;
	[tilespmem:$0x10080] =	vst v63  }
0x1ad: {  	s25 =	simm.s32 $0x3980;
	s26 =	sadd.s32 $0x70, s7  }
0x1ae: {  	[hbm4b:s26+s3] =	stream.linear.scatter [tilespmem:s25], [sflag:$0x2], $0x80, $0x38;
	[tilespmem:$0x10080] =	vst v63  }
0x1af: {  	s28 =	simm.s32 $0x380;
	s29 =	sadd.s32 $0x80, s7  }
0x1b0: {  	[hbm4b:s29+s3] =	stream.linear.scatter [tilespmem:s28], [sflag:$0x2], $0x80, $0x38;
	[tilespmem:$0x10080] =	vst v63  }
0x1b1: {  	s30 =	simm.s32 $0xB80;
	s31 =	sadd.s32 $0x90, s7  }
0x1b2: {  	[hbm4b:s31+s3] =	stream.linear.scatter [tilespmem:s30], [sflag:$0x2], $0x80, $0x38;
	[tilespmem:$0x10080] =	vst v63  }
0x1b3: {  	s17 =	simm.s32 $0x1380;
	s18 =	sadd.s32 $0xA0, s7  }
0x1b4: {  	[hbm4b:s18+s3] =	stream.linear.scatter [tilespmem:s17], [sflag:$0x2], $0x80, $0x38;
	[tilespmem:$0x10080] =	vst v63  }
0x1b5: {  	s19 =	simm.s32 $0x1B80;
	s20 =	sadd.s32 $0xB0, s7  }
0x1b6: {  	[hbm4b:s20+s3] =	stream.linear.scatter [tilespmem:s19], [sflag:$0x2], $0x80, $0x38;
	[tilespmem:$0x10080] =	vst v63  }
0x1b7: {  	s21 =	simm.s32 $0x2380;
	s22 =	sadd.s32 $0xC0, s7  }
0x1b8: {  	[hbm4b:s22+s3] =	stream.linear.scatter [tilespmem:s21], [sflag:$0x2], $0x80, $0x38;
	[tilespmem:$0x10080] =	vst v63  }
0x1b9: {  	s23 =	simm.s32 $0x2B80;
	s24 =	sadd.s32 $0xD0, s7  }
0x1ba: {  	[hbm4b:s24+s3] =	stream.linear.scatter [tilespmem:s23], [sflag:$0x2], $0x80, $0x38;
	[tilespmem:$0x10080] =	vst v63  }
0x1bb: {  	s25 =	simm.s32 $0x3380;
	s26 =	sadd.s32 $0xE0, s7  }
0x1bc: {  	[hbm4b:s26+s3] =	stream.linear.scatter [tilespmem:s25], [sflag:$0x2], $0x80, $0x38;
	[tilespmem:$0x10080] =	vst v63  }
0x1bd: {  	s28 =	simm.s32 $0x3B80;
	s29 =	sadd.s32 $0xF0, s7  }
0x1be: {  	[hbm4b:s29+s3] =	stream.linear.scatter [tilespmem:s28], [sflag:$0x2], $0x80, $0x38;
	[tilespmem:$0x10080] =	vst v63  }
0x1bf: {  	s30 =	simm.s32 $0x580;
	s31 =	sadd.s32 $0x100, s7  }
0x1c0: {  	[hbm4b:s31+s3] =	stream.linear.scatter [tilespmem:s30], [sflag:$0x2], $0x80, $0x38;
	[tilespmem:$0x10080] =	vst v63  }
0x1c1: {  	s17 =	simm.s32 $0xD80;
	s18 =	sadd.s32 $0x110, s7  }
0x1c2: {  	[hbm4b:s18+s3] =	stream.linear.scatter [tilespmem:s17], [sflag:$0x2], $0x80, $0x38;
	[tilespmem:$0x10080] =	vst v63  }
0x1c3: {  	s19 =	simm.s32 $0x1580;
	s20 =	sadd.s32 $0x120, s7  }
0x1c4: {  	[hbm4b:s20+s3] =	stream.linear.scatter [tilespmem:s19], [sflag:$0x2], $0x80, $0x38;
	[tilespmem:$0x10080] =	vst v63  }
0x1c5: {  	s21 =	simm.s32 $0x1D80;
	s22 =	sadd.s32 $0x130, s7  }
0x1c6: {  	[hbm4b:s22+s3] =	stream.linear.scatter [tilespmem:s21], [sflag:$0x2], $0x80, $0x38;
	[tilespmem:$0x10080] =	vst v63  }
0x1c7: {  	s23 =	simm.s32 $0x2580;
	s24 =	sadd.s32 $0x140, s7  }
0x1c8: {  	[hbm4b:s24+s3] =	stream.linear.scatter [tilespmem:s23], [sflag:$0x2], $0x80, $0x38;
	[tilespmem:$0x10080] =	vst v63  }
0x1c9: {  	s25 =	simm.s32 $0x2D80;
	s26 =	sadd.s32 $0x150, s7  }
0x1ca: {  	[hbm4b:s26+s3] =	stream.linear.scatter [tilespmem:s25], [sflag:$0x2], $0x80, $0x38;
	[tilespmem:$0x10080] =	vst v63  }
0x1cb: {  	s28 =	simm.s32 $0x3580;
	s29 =	sadd.s32 $0x160, s7  }
0x1cc: {  	[hbm4b:s29+s3] =	stream.linear.scatter [tilespmem:s28], [sflag:$0x2], $0x80, $0x38;
	[tilespmem:$0x10080] =	vst v63  }
0x1cd: {  	s30 =	simm.s32 $0x3D80;
	s31 =	sadd.s32 $0x170, s7  }
0x1ce: {  	[hbm4b:s31+s3] =	stream.linear.scatter [tilespmem:s30], [sflag:$0x2], $0x80, $0x38;
	[tilespmem:$0x10080] =	vst v63  }
0x1cf: {  	s17 =	simm.s32 $0x780;
	s18 =	sadd.s32 $0x180, s7  }
0x1d0: {  	[hbm4b:s18+s3] =	stream.linear.scatter [tilespmem:s17], [sflag:$0x2], $0x80, $0x38;
	[tilespmem:$0x10080] =	vst v63  }
0x1d1: {  	s19 =	simm.s32 $0xF80;
	s20 =	sadd.s32 $0x190, s7  }
0x1d2: {  	[hbm4b:s20+s3] =	stream.linear.scatter [tilespmem:s19], [sflag:$0x2], $0x80, $0x38;
	[tilespmem:$0x10080] =	vst v63  }
0x1d3: {  	s15 =	simm.s32 $0x4000;
	s21 =	simm.s32 $0x1780;
	s22 =	sadd.s32 $0x1A0, s7  }
0x1d4: {  	[hbm4b:s22+s3] =	stream.linear.scatter [tilespmem:s21], [sflag:$0x2], $0x80, $0x38;
	[tilespmem:$0x10080] =	vst v63  }
0x1d5: {  	s16 =	sadd.s32 $0x200, s7;
	s23 =	simm.s32 $0x1F80;
	s24 =	sadd.s32 $0x1B0, s7  }
0x1d6: {  	[hbm4b:s24+s3] =	stream.linear.scatter [tilespmem:s23], [sflag:$0x2], $0x80, $0x38;
	[tilespmem:$0x10080] =	vst v63  }
0x1d7: {  	s25 =	simm.s32 $0x2780;
	s26 =	sadd.s32 $0x1C0, s7;
	s28 =	simm.s32 $0x2F80  }
0x1d8: {  	[hbm4b:s26+s3] =	stream.linear.scatter [tilespmem:s25], [sflag:$0x2], $0x80, $0x38;
	[tilespmem:$0x10080] =	vst v63  }
0x1d9: {  	s29 =	sadd.s32 $0x1D0, s7;
	s30 =	simm.s32 $0x3780;
	s31 =	sadd.s32 $0x1E0, s7  }
0x1da: {  	[hbm4b:s29+s3] =	stream.linear.scatter [tilespmem:s28], [sflag:$0x2], $0x80, $0x38;
	[tilespmem:$0x10080] =	vst v63  }
0x1db: {  	s17 =	simm.s32 $0x3F80;
	s19 =	simm.s32 $0x20000;
	s20 =	sadd.s32 $0x1F0, s7  }
0x1dc: {  	[hbm4b:s31+s3] =	stream.linear.scatter [tilespmem:s30], [sflag:$0x2], $0x80, $0x38;
	[tilespmem:$0x10080] =	vst v63  }
.LBB2_6:
0x1dd: {  	[hbm4b:s20+s3] =	stream.linear.scatter [tilespmem:s17], [sflag:$0x2], $0x80, $0x38;
	[tilespmem:$0x10080] =	vst v63  }
0x1de: {  	s17 =	smov.u32 s15;
	s15 =	smov.u32 s19  }
0x1df: {  	s18 =	sadd.s32 $0x10000, s19;
	s15 =	sshra.s32 s15, $0x2;
	s20 =	sadd.s32 $0x180, s17  }
0x1e0: {  	[hbm4b:s16+s3] =	stream.linear.scatter [tilespmem:s20], [sflag:$0x2], $0x80, $0x38;
	[tilespmem:$0x10080] =	vst v63  }
0x1e1: {  	p0 =	sne.s32 s19, $0x30000;
	s19 =	sadd.s32 $0x980, s17;
	s20 =	sadd.s32 $0x10, s16  }
0x1e2: {  	[hbm4b:s20+s3] =	stream.linear.scatter [tilespmem:s19], [sflag:$0x2], $0x80, $0x38;
	[tilespmem:$0x10080] =	vst v63  }
0x1e3: {  	s19 =	sadd.s32 $0x1180, s17;
	s20 =	sadd.s32 $0x20, s16  }
0x1e4: {  	[hbm4b:s20+s3] =	stream.linear.scatter [tilespmem:s19], [sflag:$0x2], $0x80, $0x38;
	[tilespmem:$0x10080] =	vst v63  }
0x1e5: {  	s19 =	sadd.s32 $0x1980, s17;
	s20 =	sadd.s32 $0x30, s16  }
0x1e6: {  	[hbm4b:s20+s3] =	stream.linear.scatter [tilespmem:s19], [sflag:$0x2], $0x80, $0x38;
	[tilespmem:$0x10080] =	vst v63  }
0x1e7: {  	s19 =	sadd.s32 $0x2180, s17;
	s20 =	sadd.s32 $0x40, s16  }
0x1e8: {  	[hbm4b:s20+s3] =	stream.linear.scatter [tilespmem:s19], [sflag:$0x2], $0x80, $0x38;
	[tilespmem:$0x10080] =	vst v63  }
0x1e9: {  	s19 =	sadd.s32 $0x2980, s17;
	s20 =	sadd.s32 $0x50, s16  }
0x1ea: {  	[hbm4b:s20+s3] =	stream.linear.scatter [tilespmem:s19], [sflag:$0x2], $0x80, $0x38;
	[tilespmem:$0x10080] =	vst v63  }
0x1eb: {  	s19 =	sadd.s32 $0x3180, s17;
	s20 =	sadd.s32 $0x60, s16  }
0x1ec: {  	[hbm4b:s20+s3] =	stream.linear.scatter [tilespmem:s19], [sflag:$0x2], $0x80, $0x38;
	[tilespmem:$0x10080] =	vst v63  }
0x1ed: {  	s19 =	sadd.s32 $0x3980, s17;
	s20 =	sadd.s32 $0x70, s16  }
0x1ee: {  	[hbm4b:s20+s3] =	stream.linear.scatter [tilespmem:s19], [sflag:$0x2], $0x80, $0x38;
	[tilespmem:$0x10080] =	vst v63  }
0x1ef: {  	s19 =	sadd.s32 $0x380, s17;
	s20 =	sadd.s32 $0x80, s16  }
0x1f0: {  	[hbm4b:s20+s3] =	stream.linear.scatter [tilespmem:s19], [sflag:$0x2], $0x80, $0x38;
	[tilespmem:$0x10080] =	vst v63  }
0x1f1: {  	s19 =	sadd.s32 $0xB80, s17;
	s20 =	sadd.s32 $0x90, s16  }
0x1f2: {  	[hbm4b:s20+s3] =	stream.linear.scatter [tilespmem:s19], [sflag:$0x2], $0x80, $0x38;
	[tilespmem:$0x10080] =	vst v63  }
0x1f3: {  	s19 =	sadd.s32 $0x1380, s17;
	s20 =	sadd.s32 $0xA0, s16  }
0x1f4: {  	[hbm4b:s20+s3] =	stream.linear.scatter [tilespmem:s19], [sflag:$0x2], $0x80, $0x38;
	[tilespmem:$0x10080] =	vst v63  }
0x1f5: {  	s19 =	sadd.s32 $0x1B80, s17;
	s20 =	sadd.s32 $0xB0, s16  }
0x1f6: {  	[hbm4b:s20+s3] =	stream.linear.scatter [tilespmem:s19], [sflag:$0x2], $0x80, $0x38;
	[tilespmem:$0x10080] =	vst v63  }
0x1f7: {  	s19 =	sadd.s32 $0x2380, s17;
	s20 =	sadd.s32 $0xC0, s16  }
0x1f8: {  	[hbm4b:s20+s3] =	stream.linear.scatter [tilespmem:s19], [sflag:$0x2], $0x80, $0x38;
	[tilespmem:$0x10080] =	vst v63  }
0x1f9: {  	s19 =	sadd.s32 $0x2B80, s17;
	s20 =	sadd.s32 $0xD0, s16  }
0x1fa: {  	[hbm4b:s20+s3] =	stream.linear.scatter [tilespmem:s19], [sflag:$0x2], $0x80, $0x38;
	[tilespmem:$0x10080] =	vst v63  }
0x1fb: {  	s19 =	sadd.s32 $0x3380, s17;
	s20 =	sadd.s32 $0xE0, s16  }
0x1fc: {  	[hbm4b:s20+s3] =	stream.linear.scatter [tilespmem:s19], [sflag:$0x2], $0x80, $0x38;
	[tilespmem:$0x10080] =	vst v63  }
0x1fd: {  	s19 =	sadd.s32 $0x3B80, s17;
	s20 =	sadd.s32 $0xF0, s16  }
0x1fe: {  	[hbm4b:s20+s3] =	stream.linear.scatter [tilespmem:s19], [sflag:$0x2], $0x80, $0x38;
	[tilespmem:$0x10080] =	vst v63  }
0x1ff: {  	s19 =	sadd.s32 $0x580, s17;
	s20 =	sadd.s32 $0x100, s16  }
0x200: {  	[hbm4b:s20+s3] =	stream.linear.scatter [tilespmem:s19], [sflag:$0x2], $0x80, $0x38;
	[tilespmem:$0x10080] =	vst v63  }
0x201: {  	s19 =	sadd.s32 $0xD80, s17;
	s20 =	sadd.s32 $0x110, s16  }
0x202: {  	[hbm4b:s20+s3] =	stream.linear.scatter [tilespmem:s19], [sflag:$0x2], $0x80, $0x38;
	[tilespmem:$0x10080] =	vst v63  }
0x203: {  	s19 =	sadd.s32 $0x1580, s17;
	s20 =	sadd.s32 $0x120, s16  }
0x204: {  	[hbm4b:s20+s3] =	stream.linear.scatter [tilespmem:s19], [sflag:$0x2], $0x80, $0x38;
	[tilespmem:$0x10080] =	vst v63  }
0x205: {  	s19 =	sadd.s32 $0x1D80, s17;
	s20 =	sadd.s32 $0x130, s16  }
0x206: {  	[hbm4b:s20+s3] =	stream.linear.scatter [tilespmem:s19], [sflag:$0x2], $0x80, $0x38;
	[tilespmem:$0x10080] =	vst v63  }
0x207: {  	s19 =	sadd.s32 $0x2580, s17;
	s20 =	sadd.s32 $0x140, s16  }
0x208: {  	[hbm4b:s20+s3] =	stream.linear.scatter [tilespmem:s19], [sflag:$0x2], $0x80, $0x38;
	[tilespmem:$0x10080] =	vst v63  }
0x209: {  	s19 =	sadd.s32 $0x2D80, s17;
	s20 =	sadd.s32 $0x150, s16  }
0x20a: {  	[hbm4b:s20+s3] =	stream.linear.scatter [tilespmem:s19], [sflag:$0x2], $0x80, $0x38;
	[tilespmem:$0x10080] =	vst v63  }
0x20b: {  	s19 =	sadd.s32 $0x3580, s17;
	s20 =	sadd.s32 $0x160, s16  }
0x20c: {  	[hbm4b:s20+s3] =	stream.linear.scatter [tilespmem:s19], [sflag:$0x2], $0x80, $0x38;
	[tilespmem:$0x10080] =	vst v63  }
0x20d: {  	s19 =	sadd.s32 $0x3D80, s17;
	s20 =	sadd.s32 $0x170, s16  }
0x20e: {  	[hbm4b:s20+s3] =	stream.linear.scatter [tilespmem:s19], [sflag:$0x2], $0x80, $0x38;
	[tilespmem:$0x10080] =	vst v63  }
0x20f: {  	s19 =	sadd.s32 $0x780, s17;
	s20 =	sadd.s32 $0x180, s16  }
0x210: {  	[hbm4b:s20+s3] =	stream.linear.scatter [tilespmem:s19], [sflag:$0x2], $0x80, $0x38;
	[tilespmem:$0x10080] =	vst v63  }
0x211: {  	s19 =	sadd.s32 $0xF80, s17;
	s20 =	sadd.s32 $0x190, s16  }
0x212: {  	[hbm4b:s20+s3] =	stream.linear.scatter [tilespmem:s19], [sflag:$0x2], $0x80, $0x38;
	[tilespmem:$0x10080] =	vst v63  }
0x213: {  	s19 =	sadd.s32 $0x1780, s17;
	s20 =	sadd.s32 $0x1A0, s16  }
0x214: {  	[hbm4b:s20+s3] =	stream.linear.scatter [tilespmem:s19], [sflag:$0x2], $0x80, $0x38;
	[tilespmem:$0x10080] =	vst v63  }
0x215: {  	s19 =	sadd.s32 $0x1F80, s17;
	s20 =	sadd.s32 $0x1B0, s16  }
0x216: {  	[hbm4b:s20+s3] =	stream.linear.scatter [tilespmem:s19], [sflag:$0x2], $0x80, $0x38;
	[tilespmem:$0x10080] =	vst v63  }
0x217: {  	s19 =	sadd.s32 $0x2780, s17;
	s20 =	sadd.s32 $0x1C0, s16  }
0x218: {  	[hbm4b:s20+s3] =	stream.linear.scatter [tilespmem:s19], [sflag:$0x2], $0x80, $0x38;
	[tilespmem:$0x10080] =	vst v63  }
.Ltmp2:
0x219: {  	s19 =	sadd.s32 $0x2F80, s17;
	s20 =	sadd.s32 $0x1D0, s16;
	(pc) =	sbr.rel @p0 .LBB2_6-.Ltmp2, $4  }
0x21a: {  	[hbm4b:s20+s3] =	stream.linear.scatter [tilespmem:s19], [sflag:$0x2], $0x80, $0x38;
	[tilespmem:$0x10080] =	vst v63  }
0x21b: {  	s19 =	sadd.s32 $0x3780, s17;
	s20 =	sadd.s32 $0x1E0, s16;
	s17 =	sadd.s32 $0x3F80, s17  }
0x21c: {  	[hbm4b:s20+s3] =	stream.linear.scatter [tilespmem:s19], [sflag:$0x2], $0x80, $0x38;
	[tilespmem:$0x10080] =	vst v63  }
0x21d: {  	s20 =	sadd.s32 $0x1F0, s16;
	s16 =	sadd.s32 $0x200, s16;
	s19 =	smov.u32 s18  }
0x21e: {  	[hbm4b:s20+s3] =	stream.linear.scatter [tilespmem:s17], [sflag:$0x2], $0x80, $0x38;
	[tilespmem:$0x10080] =	vst v63  }
0x21f: {  	s25 =	sadd.s32 $0x180, s15  }
0x220: {  	[hbm4b:s16+s3] =	stream.linear.scatter [tilespmem:s25], [sflag:$0x2], $0x80, $0x38;
	[tilespmem:$0x10080] =	vst v63  }
0x221: {  	s26 =	sadd.s32 $0x980, s15;
	s18 =	sadd.s32 $0x10, s16  }
0x222: {  	[hbm4b:s18+s3] =	stream.linear.scatter [tilespmem:s26], [sflag:$0x2], $0x80, $0x38;
	[tilespmem:$0x10080] =	vst v63  }
0x223: {  	s28 =	sadd.s32 $0x1180, s15;
	s29 =	sadd.s32 $0x20, s16  }
0x224: {  	[hbm4b:s29+s3] =	stream.linear.scatter [tilespmem:s28], [sflag:$0x2], $0x80, $0x38;
	[tilespmem:$0x10080] =	vst v63  }
0x225: {  	s30 =	sadd.s32 $0x1980, s15;
	s31 =	sadd.s32 $0x30, s16  }
0x226: {  	[hbm4b:s31+s3] =	stream.linear.scatter [tilespmem:s30], [sflag:$0x2], $0x80, $0x38;
	[tilespmem:$0x10080] =	vst v63  }
0x227: {  	s19 =	sadd.s32 $0x2180, s15;
	s20 =	sadd.s32 $0x40, s16  }
0x228: {  	[hbm4b:s20+s3] =	stream.linear.scatter [tilespmem:s19], [sflag:$0x2], $0x80, $0x38;
	[tilespmem:$0x10080] =	vst v63  }
0x229: {  	s21 =	sadd.s32 $0x2980, s15;
	s22 =	sadd.s32 $0x50, s16  }
0x22a: {  	[hbm4b:s22+s3] =	stream.linear.scatter [tilespmem:s21], [sflag:$0x2], $0x80, $0x38;
	[tilespmem:$0x10080] =	vst v63  }
0x22b: {  	s23 =	sadd.s32 $0x3180, s15;
	s24 =	sadd.s32 $0x60, s16  }
0x22c: {  	[hbm4b:s24+s3] =	stream.linear.scatter [tilespmem:s23], [sflag:$0x2], $0x80, $0x38;
	[tilespmem:$0x10080] =	vst v63  }
0x22d: {  	s25 =	sadd.s32 $0x3980, s15;
	s26 =	sadd.s32 $0x70, s16  }
0x22e: {  	[hbm4b:s26+s3] =	stream.linear.scatter [tilespmem:s25], [sflag:$0x2], $0x80, $0x38;
	[tilespmem:$0x10080] =	vst v63  }
0x22f: {  	s28 =	sadd.s32 $0x380, s15;
	s29 =	sadd.s32 $0x80, s16  }
0x230: {  	[hbm4b:s29+s3] =	stream.linear.scatter [tilespmem:s28], [sflag:$0x2], $0x80, $0x38;
	[tilespmem:$0x10080] =	vst v63  }
0x231: {  	s30 =	sadd.s32 $0xB80, s15;
	s31 =	sadd.s32 $0x90, s16  }
0x232: {  	[hbm4b:s31+s3] =	stream.linear.scatter [tilespmem:s30], [sflag:$0x2], $0x80, $0x38;
	[tilespmem:$0x10080] =	vst v63  }
0x233: {  	s19 =	sadd.s32 $0x1380, s15;
	s20 =	sadd.s32 $0xA0, s16  }
0x234: {  	[hbm4b:s20+s3] =	stream.linear.scatter [tilespmem:s19], [sflag:$0x2], $0x80, $0x38;
	[tilespmem:$0x10080] =	vst v63  }
0x235: {  	s21 =	sadd.s32 $0x1B80, s15;
	s22 =	sadd.s32 $0xB0, s16  }
0x236: {  	[hbm4b:s22+s3] =	stream.linear.scatter [tilespmem:s21], [sflag:$0x2], $0x80, $0x38;
	[tilespmem:$0x10080] =	vst v63  }
0x237: {  	s23 =	sadd.s32 $0x2380, s15;
	s24 =	sadd.s32 $0xC0, s16  }
0x238: {  	[hbm4b:s24+s3] =	stream.linear.scatter [tilespmem:s23], [sflag:$0x2], $0x80, $0x38;
	[tilespmem:$0x10080] =	vst v63  }
0x239: {  	s25 =	sadd.s32 $0x2B80, s15;
	s26 =	sadd.s32 $0xD0, s16  }
0x23a: {  	[hbm4b:s26+s3] =	stream.linear.scatter [tilespmem:s25], [sflag:$0x2], $0x80, $0x38;
	[tilespmem:$0x10080] =	vst v63  }
0x23b: {  	s28 =	sadd.s32 $0x3380, s15;
	s29 =	sadd.s32 $0xE0, s16  }
0x23c: {  	[hbm4b:s29+s3] =	stream.linear.scatter [tilespmem:s28], [sflag:$0x2], $0x80, $0x38;
	[tilespmem:$0x10080] =	vst v63  }
0x23d: {  	s30 =	sadd.s32 $0x3B80, s15;
	s31 =	sadd.s32 $0xF0, s16  }
0x23e: {  	[hbm4b:s31+s3] =	stream.linear.scatter [tilespmem:s30], [sflag:$0x2], $0x80, $0x38;
	[tilespmem:$0x10080] =	vst v63  }
0x23f: {  	s19 =	sadd.s32 $0x580, s15;
	s20 =	sadd.s32 $0x100, s16  }
0x240: {  	[hbm4b:s20+s3] =	stream.linear.scatter [tilespmem:s19], [sflag:$0x2], $0x80, $0x38;
	[tilespmem:$0x10080] =	vst v63  }
0x241: {  	s21 =	sadd.s32 $0xD80, s15;
	s22 =	sadd.s32 $0x110, s16  }
0x242: {  	[hbm4b:s22+s3] =	stream.linear.scatter [tilespmem:s21], [sflag:$0x2], $0x80, $0x38;
	[tilespmem:$0x10080] =	vst v63  }
0x243: {  	s23 =	sadd.s32 $0x1580, s15;
	s24 =	sadd.s32 $0x120, s16  }
0x244: {  	[hbm4b:s24+s3] =	stream.linear.scatter [tilespmem:s23], [sflag:$0x2], $0x80, $0x38;
	[tilespmem:$0x10080] =	vst v63  }
0x245: {  	s25 =	sadd.s32 $0x1D80, s15;
	s26 =	sadd.s32 $0x130, s16  }
0x246: {  	[hbm4b:s26+s3] =	stream.linear.scatter [tilespmem:s25], [sflag:$0x2], $0x80, $0x38;
	[tilespmem:$0x10080] =	vst v63  }
0x247: {  	s28 =	sadd.s32 $0x2580, s15;
	s29 =	sadd.s32 $0x140, s16  }
0x248: {  	[hbm4b:s29+s3] =	stream.linear.scatter [tilespmem:s28], [sflag:$0x2], $0x80, $0x38;
	[tilespmem:$0x10080] =	vst v63  }
0x249: {  	s30 =	sadd.s32 $0x2D80, s15;
	s31 =	sadd.s32 $0x150, s16  }
0x24a: {  	[hbm4b:s31+s3] =	stream.linear.scatter [tilespmem:s30], [sflag:$0x2], $0x80, $0x38;
	[tilespmem:$0x10080] =	vst v63  }
0x24b: {  	s19 =	sadd.s32 $0x3580, s15;
	s20 =	sadd.s32 $0x160, s16  }
0x24c: {  	[hbm4b:s20+s3] =	stream.linear.scatter [tilespmem:s19], [sflag:$0x2], $0x80, $0x38;
	[tilespmem:$0x10080] =	vst v63  }
0x24d: {  	s21 =	sadd.s32 $0x3D80, s15;
	s22 =	sadd.s32 $0x170, s16  }
0x24e: {  	[hbm4b:s22+s3] =	stream.linear.scatter [tilespmem:s21], [sflag:$0x2], $0x80, $0x38;
	[tilespmem:$0x10080] =	vst v63  }
0x24f: {  	s23 =	sadd.s32 $0x780, s15;
	s24 =	sadd.s32 $0x180, s16  }
0x250: {  	[hbm4b:s24+s3] =	stream.linear.scatter [tilespmem:s23], [sflag:$0x2], $0x80, $0x38;
	[tilespmem:$0x10080] =	vst v63  }
0x251: {  	s25 =	sadd.s32 $0xF80, s15;
	s26 =	sadd.s32 $0x190, s16  }
0x252: {  	[hbm4b:s26+s3] =	stream.linear.scatter [tilespmem:s25], [sflag:$0x2], $0x80, $0x38;
	[tilespmem:$0x10080] =	vst v63  }
0x253: {  	s28 =	sadd.s32 $0x1780, s15;
	s29 =	sadd.s32 $0x1A0, s16  }
0x254: {  	[hbm4b:s29+s3] =	stream.linear.scatter [tilespmem:s28], [sflag:$0x2], $0x80, $0x38;
	[tilespmem:$0x10080] =	vst v63  }
0x255: {  	s30 =	sadd.s32 $0x1F80, s15;
	s31 =	sadd.s32 $0x1B0, s16  }
0x256: {  	[hbm4b:s31+s3] =	stream.linear.scatter [tilespmem:s30], [sflag:$0x2], $0x80, $0x38;
	[tilespmem:$0x10080] =	vst v63  }
0x257: {  	s18 =	sadd.s32 $0x2780, s15;
	s19 =	sadd.s32 $0x1C0, s16  }
0x258: {  	[hbm4b:s19+s3] =	stream.linear.scatter [tilespmem:s18], [sflag:$0x2], $0x80, $0x38;
	[tilespmem:$0x10080] =	vst v63  }
0x259: {  	s20 =	sadd.s32 $0x2F80, s15;
	s21 =	sadd.s32 $0x1D0, s16  }
0x25a: {  	[hbm4b:s21+s3] =	stream.linear.scatter [tilespmem:s20], [sflag:$0x2], $0x80, $0x38;
	[tilespmem:$0x10080] =	vst v63  }
0x25b: {  	s22 =	sadd.s32 $0x3780, s15;
	s23 =	sadd.s32 $0x1E0, s16  }
0x25c: {  	[hbm4b:s23+s3] =	stream.linear.scatter [tilespmem:s22], [sflag:$0x2], $0x80, $0x38;
	[tilespmem:$0x10080] =	vst v63  }
0x25d: {  	s24 =	sadd.s32 $0x3F80, s15;
	s25 =	sadd.s32 $0x1F0, s16  }
0x25e: {  	[hbm4b:s25+s3] =	stream.linear.scatter [tilespmem:s24], [sflag:$0x2], $0x80, $0x38;
	[tilespmem:$0x10080] =	vst v63  }
0x25f: {  	_ =	swait.ge [sflag:s10], $0x4000  }
0x260: {  	[sflag:s10] =	ssyncset.done $0x0  }
0x261: {  	s26 =	simm.s32 $0x200;
	[sflag:s10] =	ssyncadd.s32 $0xFFFFC000  }
0x262: {  	[hbm4b:s8+s3] =	stream.linear.scatter [tilespmem:s26], [sflag:$0x2], $0x80, $0x38;
	[tilespmem:$0x10080] =	vst v63  }
0x263: {  	s28 =	simm.s32 $0xA00;
	s29 =	sadd.s32 $0x10, s8  }
0x264: {  	[hbm4b:s29+s3] =	stream.linear.scatter [tilespmem:s28], [sflag:$0x2], $0x80, $0x38;
	[tilespmem:$0x10080] =	vst v63  }
0x265: {  	s30 =	simm.s32 $0x1200;
	s31 =	sadd.s32 $0x20, s8  }
0x266: {  	[hbm4b:s31+s3] =	stream.linear.scatter [tilespmem:s30], [sflag:$0x2], $0x80, $0x38;
	[tilespmem:$0x10080] =	vst v63  }
0x267: {  	s17 =	simm.s32 $0x1A00;
	s18 =	sadd.s32 $0x30, s8  }
0x268: {  	[hbm4b:s18+s3] =	stream.linear.scatter [tilespmem:s17], [sflag:$0x2], $0x80, $0x38;
	[tilespmem:$0x10080] =	vst v63  }
0x269: {  	s19 =	simm.s32 $0x2200;
	s20 =	sadd.s32 $0x40, s8  }
0x26a: {  	[hbm4b:s20+s3] =	stream.linear.scatter [tilespmem:s19], [sflag:$0x2], $0x80, $0x38;
	[tilespmem:$0x10080] =	vst v63  }
0x26b: {  	s21 =	simm.s32 $0x2A00;
	s22 =	sadd.s32 $0x50, s8  }
0x26c: {  	[hbm4b:s22+s3] =	stream.linear.scatter [tilespmem:s21], [sflag:$0x2], $0x80, $0x38;
	[tilespmem:$0x10080] =	vst v63  }
0x26d: {  	s23 =	simm.s32 $0x3200;
	s24 =	sadd.s32 $0x60, s8  }
0x26e: {  	[hbm4b:s24+s3] =	stream.linear.scatter [tilespmem:s23], [sflag:$0x2], $0x80, $0x38;
	[tilespmem:$0x10080] =	vst v63  }
0x26f: {  	s25 =	simm.s32 $0x3A00;
	s26 =	sadd.s32 $0x70, s8  }
0x270: {  	[hbm4b:s26+s3] =	stream.linear.scatter [tilespmem:s25], [sflag:$0x2], $0x80, $0x38;
	[tilespmem:$0x10080] =	vst v63  }
0x271: {  	s28 =	simm.s32 $0x400;
	s29 =	sadd.s32 $0x80, s8  }
0x272: {  	[hbm4b:s29+s3] =	stream.linear.scatter [tilespmem:s28], [sflag:$0x2], $0x80, $0x38;
	[tilespmem:$0x10080] =	vst v63  }
0x273: {  	s30 =	simm.s32 $0xC00;
	s31 =	sadd.s32 $0x90, s8  }
0x274: {  	[hbm4b:s31+s3] =	stream.linear.scatter [tilespmem:s30], [sflag:$0x2], $0x80, $0x38;
	[tilespmem:$0x10080] =	vst v63  }
0x275: {  	s17 =	simm.s32 $0x1400;
	s18 =	sadd.s32 $0xA0, s8  }
0x276: {  	[hbm4b:s18+s3] =	stream.linear.scatter [tilespmem:s17], [sflag:$0x2], $0x80, $0x38;
	[tilespmem:$0x10080] =	vst v63  }
0x277: {  	s19 =	simm.s32 $0x1C00;
	s20 =	sadd.s32 $0xB0, s8  }
0x278: {  	[hbm4b:s20+s3] =	stream.linear.scatter [tilespmem:s19], [sflag:$0x2], $0x80, $0x38;
	[tilespmem:$0x10080] =	vst v63  }
0x279: {  	s21 =	simm.s32 $0x2400;
	s22 =	sadd.s32 $0xC0, s8  }
0x27a: {  	[hbm4b:s22+s3] =	stream.linear.scatter [tilespmem:s21], [sflag:$0x2], $0x80, $0x38;
	[tilespmem:$0x10080] =	vst v63  }
0x27b: {  	s23 =	simm.s32 $0x2C00;
	s24 =	sadd.s32 $0xD0, s8  }
0x27c: {  	[hbm4b:s24+s3] =	stream.linear.scatter [tilespmem:s23], [sflag:$0x2], $0x80, $0x38;
	[tilespmem:$0x10080] =	vst v63  }
0x27d: {  	s25 =	simm.s32 $0x3400;
	s26 =	sadd.s32 $0xE0, s8  }
0x27e: {  	[hbm4b:s26+s3] =	stream.linear.scatter [tilespmem:s25], [sflag:$0x2], $0x80, $0x38;
	[tilespmem:$0x10080] =	vst v63  }
0x27f: {  	s28 =	simm.s32 $0x3C00;
	s29 =	sadd.s32 $0xF0, s8  }
0x280: {  	[hbm4b:s29+s3] =	stream.linear.scatter [tilespmem:s28], [sflag:$0x2], $0x80, $0x38;
	[tilespmem:$0x10080] =	vst v63  }
0x281: {  	s30 =	simm.s32 $0x600;
	s31 =	sadd.s32 $0x100, s8  }
0x282: {  	[hbm4b:s31+s3] =	stream.linear.scatter [tilespmem:s30], [sflag:$0x2], $0x80, $0x38;
	[tilespmem:$0x10080] =	vst v63  }
0x283: {  	s17 =	simm.s32 $0xE00;
	s18 =	sadd.s32 $0x110, s8  }
0x284: {  	[hbm4b:s18+s3] =	stream.linear.scatter [tilespmem:s17], [sflag:$0x2], $0x80, $0x38;
	[tilespmem:$0x10080] =	vst v63  }
0x285: {  	s19 =	simm.s32 $0x1600;
	s20 =	sadd.s32 $0x120, s8  }
0x286: {  	[hbm4b:s20+s3] =	stream.linear.scatter [tilespmem:s19], [sflag:$0x2], $0x80, $0x38;
	[tilespmem:$0x10080] =	vst v63  }
0x287: {  	s21 =	simm.s32 $0x1E00;
	s22 =	sadd.s32 $0x130, s8  }
0x288: {  	[hbm4b:s22+s3] =	stream.linear.scatter [tilespmem:s21], [sflag:$0x2], $0x80, $0x38;
	[tilespmem:$0x10080] =	vst v63  }
0x289: {  	s23 =	simm.s32 $0x2600;
	s24 =	sadd.s32 $0x140, s8  }
0x28a: {  	[hbm4b:s24+s3] =	stream.linear.scatter [tilespmem:s23], [sflag:$0x2], $0x80, $0x38;
	[tilespmem:$0x10080] =	vst v63  }
0x28b: {  	s25 =	simm.s32 $0x2E00;
	s26 =	sadd.s32 $0x150, s8  }
0x28c: {  	[hbm4b:s26+s3] =	stream.linear.scatter [tilespmem:s25], [sflag:$0x2], $0x80, $0x38;
	[tilespmem:$0x10080] =	vst v63  }
0x28d: {  	s28 =	simm.s32 $0x3600;
	s29 =	sadd.s32 $0x160, s8  }
0x28e: {  	[hbm4b:s29+s3] =	stream.linear.scatter [tilespmem:s28], [sflag:$0x2], $0x80, $0x38;
	[tilespmem:$0x10080] =	vst v63  }
0x28f: {  	s30 =	simm.s32 $0x3E00;
	s31 =	sadd.s32 $0x170, s8  }
0x290: {  	[hbm4b:s31+s3] =	stream.linear.scatter [tilespmem:s30], [sflag:$0x2], $0x80, $0x38;
	[tilespmem:$0x10080] =	vst v63  }
0x291: {  	s17 =	simm.s32 $0x800;
	s18 =	sadd.s32 $0x180, s8  }
0x292: {  	[hbm4b:s18+s3] =	stream.linear.scatter [tilespmem:s17], [sflag:$0x2], $0x80, $0x38;
	[tilespmem:$0x10080] =	vst v63  }
0x293: {  	s19 =	simm.s32 $0x1000;
	s20 =	sadd.s32 $0x190, s8  }
0x294: {  	[hbm4b:s20+s3] =	stream.linear.scatter [tilespmem:s19], [sflag:$0x2], $0x80, $0x38;
	[tilespmem:$0x10080] =	vst v63  }
0x295: {  	s15 =	simm.s32 $0x4000;
	s21 =	simm.s32 $0x1800;
	s22 =	sadd.s32 $0x1A0, s8  }
0x296: {  	[hbm4b:s22+s3] =	stream.linear.scatter [tilespmem:s21], [sflag:$0x2], $0x80, $0x38;
	[tilespmem:$0x10080] =	vst v63  }
0x297: {  	s16 =	sadd.s32 $0x200, s8;
	s23 =	simm.s32 $0x2000;
	s24 =	sadd.s32 $0x1B0, s8  }
0x298: {  	[hbm4b:s24+s3] =	stream.linear.scatter [tilespmem:s23], [sflag:$0x2], $0x80, $0x38;
	[tilespmem:$0x10080] =	vst v63  }
0x299: {  	s25 =	simm.s32 $0x2800;
	s26 =	sadd.s32 $0x1C0, s8;
	s28 =	simm.s32 $0x3000  }
0x29a: {  	[hbm4b:s26+s3] =	stream.linear.scatter [tilespmem:s25], [sflag:$0x2], $0x80, $0x38;
	[tilespmem:$0x10080] =	vst v63  }
0x29b: {  	s29 =	sadd.s32 $0x1D0, s8;
	s30 =	simm.s32 $0x3800;
	s31 =	sadd.s32 $0x1E0, s8  }
0x29c: {  	[hbm4b:s29+s3] =	stream.linear.scatter [tilespmem:s28], [sflag:$0x2], $0x80, $0x38;
	[tilespmem:$0x10080] =	vst v63  }
0x29d: {  	s17 =	simm.s32 $0x4000;
	s19 =	simm.s32 $0x20000;
	s20 =	sadd.s32 $0x1F0, s8  }
0x29e: {  	[hbm4b:s31+s3] =	stream.linear.scatter [tilespmem:s30], [sflag:$0x2], $0x80, $0x38;
	[tilespmem:$0x10080] =	vst v63  }
.LBB2_8:
0x29f: {  	[hbm4b:s20+s3] =	stream.linear.scatter [tilespmem:s17], [sflag:$0x2], $0x80, $0x38;
	[tilespmem:$0x10080] =	vst v63  }
0x2a0: {  	s17 =	smov.u32 s15;
	s15 =	smov.u32 s19  }
0x2a1: {  	s18 =	sadd.s32 $0x10000, s19;
	s15 =	sshra.s32 s15, $0x2;
	s20 =	sadd.s32 $0x200, s17  }
0x2a2: {  	[hbm4b:s16+s3] =	stream.linear.scatter [tilespmem:s20], [sflag:$0x2], $0x80, $0x38;
	[tilespmem:$0x10080] =	vst v63  }
0x2a3: {  	p0 =	sne.s32 s19, $0x30000;
	s19 =	sadd.s32 $0xA00, s17;
	s20 =	sadd.s32 $0x10, s16  }
0x2a4: {  	[hbm4b:s20+s3] =	stream.linear.scatter [tilespmem:s19], [sflag:$0x2], $0x80, $0x38;
	[tilespmem:$0x10080] =	vst v63  }
0x2a5: {  	s19 =	sadd.s32 $0x1200, s17;
	s20 =	sadd.s32 $0x20, s16  }
0x2a6: {  	[hbm4b:s20+s3] =	stream.linear.scatter [tilespmem:s19], [sflag:$0x2], $0x80, $0x38;
	[tilespmem:$0x10080] =	vst v63  }
0x2a7: {  	s19 =	sadd.s32 $0x1A00, s17;
	s20 =	sadd.s32 $0x30, s16  }
0x2a8: {  	[hbm4b:s20+s3] =	stream.linear.scatter [tilespmem:s19], [sflag:$0x2], $0x80, $0x38;
	[tilespmem:$0x10080] =	vst v63  }
0x2a9: {  	s19 =	sadd.s32 $0x2200, s17;
	s20 =	sadd.s32 $0x40, s16  }
0x2aa: {  	[hbm4b:s20+s3] =	stream.linear.scatter [tilespmem:s19], [sflag:$0x2], $0x80, $0x38;
	[tilespmem:$0x10080] =	vst v63  }
0x2ab: {  	s19 =	sadd.s32 $0x2A00, s17;
	s20 =	sadd.s32 $0x50, s16  }
0x2ac: {  	[hbm4b:s20+s3] =	stream.linear.scatter [tilespmem:s19], [sflag:$0x2], $0x80, $0x38;
	[tilespmem:$0x10080] =	vst v63  }
0x2ad: {  	s19 =	sadd.s32 $0x3200, s17;
	s20 =	sadd.s32 $0x60, s16  }
0x2ae: {  	[hbm4b:s20+s3] =	stream.linear.scatter [tilespmem:s19], [sflag:$0x2], $0x80, $0x38;
	[tilespmem:$0x10080] =	vst v63  }
0x2af: {  	s19 =	sadd.s32 $0x3A00, s17;
	s20 =	sadd.s32 $0x70, s16  }
0x2b0: {  	[hbm4b:s20+s3] =	stream.linear.scatter [tilespmem:s19], [sflag:$0x2], $0x80, $0x38;
	[tilespmem:$0x10080] =	vst v63  }
0x2b1: {  	s19 =	sadd.s32 $0x400, s17;
	s20 =	sadd.s32 $0x80, s16  }
0x2b2: {  	[hbm4b:s20+s3] =	stream.linear.scatter [tilespmem:s19], [sflag:$0x2], $0x80, $0x38;
	[tilespmem:$0x10080] =	vst v63  }
0x2b3: {  	s19 =	sadd.s32 $0xC00, s17;
	s20 =	sadd.s32 $0x90, s16  }
0x2b4: {  	[hbm4b:s20+s3] =	stream.linear.scatter [tilespmem:s19], [sflag:$0x2], $0x80, $0x38;
	[tilespmem:$0x10080] =	vst v63  }
0x2b5: {  	s19 =	sadd.s32 $0x1400, s17;
	s20 =	sadd.s32 $0xA0, s16  }
0x2b6: {  	[hbm4b:s20+s3] =	stream.linear.scatter [tilespmem:s19], [sflag:$0x2], $0x80, $0x38;
	[tilespmem:$0x10080] =	vst v63  }
0x2b7: {  	s19 =	sadd.s32 $0x1C00, s17;
	s20 =	sadd.s32 $0xB0, s16  }
0x2b8: {  	[hbm4b:s20+s3] =	stream.linear.scatter [tilespmem:s19], [sflag:$0x2], $0x80, $0x38;
	[tilespmem:$0x10080] =	vst v63  }
0x2b9: {  	s19 =	sadd.s32 $0x2400, s17;
	s20 =	sadd.s32 $0xC0, s16  }
0x2ba: {  	[hbm4b:s20+s3] =	stream.linear.scatter [tilespmem:s19], [sflag:$0x2], $0x80, $0x38;
	[tilespmem:$0x10080] =	vst v63  }
0x2bb: {  	s19 =	sadd.s32 $0x2C00, s17;
	s20 =	sadd.s32 $0xD0, s16  }
0x2bc: {  	[hbm4b:s20+s3] =	stream.linear.scatter [tilespmem:s19], [sflag:$0x2], $0x80, $0x38;
	[tilespmem:$0x10080] =	vst v63  }
0x2bd: {  	s19 =	sadd.s32 $0x3400, s17;
	s20 =	sadd.s32 $0xE0, s16  }
0x2be: {  	[hbm4b:s20+s3] =	stream.linear.scatter [tilespmem:s19], [sflag:$0x2], $0x80, $0x38;
	[tilespmem:$0x10080] =	vst v63  }
0x2bf: {  	s19 =	sadd.s32 $0x3C00, s17;
	s20 =	sadd.s32 $0xF0, s16  }
0x2c0: {  	[hbm4b:s20+s3] =	stream.linear.scatter [tilespmem:s19], [sflag:$0x2], $0x80, $0x38;
	[tilespmem:$0x10080] =	vst v63  }
0x2c1: {  	s19 =	sadd.s32 $0x600, s17;
	s20 =	sadd.s32 $0x100, s16  }
0x2c2: {  	[hbm4b:s20+s3] =	stream.linear.scatter [tilespmem:s19], [sflag:$0x2], $0x80, $0x38;
	[tilespmem:$0x10080] =	vst v63  }
0x2c3: {  	s19 =	sadd.s32 $0xE00, s17;
	s20 =	sadd.s32 $0x110, s16  }
0x2c4: {  	[hbm4b:s20+s3] =	stream.linear.scatter [tilespmem:s19], [sflag:$0x2], $0x80, $0x38;
	[tilespmem:$0x10080] =	vst v63  }
0x2c5: {  	s19 =	sadd.s32 $0x1600, s17;
	s20 =	sadd.s32 $0x120, s16  }
0x2c6: {  	[hbm4b:s20+s3] =	stream.linear.scatter [tilespmem:s19], [sflag:$0x2], $0x80, $0x38;
	[tilespmem:$0x10080] =	vst v63  }
0x2c7: {  	s19 =	sadd.s32 $0x1E00, s17;
	s20 =	sadd.s32 $0x130, s16  }
0x2c8: {  	[hbm4b:s20+s3] =	stream.linear.scatter [tilespmem:s19], [sflag:$0x2], $0x80, $0x38;
	[tilespmem:$0x10080] =	vst v63  }
0x2c9: {  	s19 =	sadd.s32 $0x2600, s17;
	s20 =	sadd.s32 $0x140, s16  }
0x2ca: {  	[hbm4b:s20+s3] =	stream.linear.scatter [tilespmem:s19], [sflag:$0x2], $0x80, $0x38;
	[tilespmem:$0x10080] =	vst v63  }
0x2cb: {  	s19 =	sadd.s32 $0x2E00, s17;
	s20 =	sadd.s32 $0x150, s16  }
0x2cc: {  	[hbm4b:s20+s3] =	stream.linear.scatter [tilespmem:s19], [sflag:$0x2], $0x80, $0x38;
	[tilespmem:$0x10080] =	vst v63  }
0x2cd: {  	s19 =	sadd.s32 $0x3600, s17;
	s20 =	sadd.s32 $0x160, s16  }
0x2ce: {  	[hbm4b:s20+s3] =	stream.linear.scatter [tilespmem:s19], [sflag:$0x2], $0x80, $0x38;
	[tilespmem:$0x10080] =	vst v63  }
0x2cf: {  	s19 =	sadd.s32 $0x3E00, s17;
	s20 =	sadd.s32 $0x170, s16  }
0x2d0: {  	[hbm4b:s20+s3] =	stream.linear.scatter [tilespmem:s19], [sflag:$0x2], $0x80, $0x38;
	[tilespmem:$0x10080] =	vst v63  }
0x2d1: {  	s19 =	sadd.s32 $0x800, s17;
	s20 =	sadd.s32 $0x180, s16  }
0x2d2: {  	[hbm4b:s20+s3] =	stream.linear.scatter [tilespmem:s19], [sflag:$0x2], $0x80, $0x38;
	[tilespmem:$0x10080] =	vst v63  }
0x2d3: {  	s19 =	sadd.s32 $0x1000, s17;
	s20 =	sadd.s32 $0x190, s16  }
0x2d4: {  	[hbm4b:s20+s3] =	stream.linear.scatter [tilespmem:s19], [sflag:$0x2], $0x80, $0x38;
	[tilespmem:$0x10080] =	vst v63  }
0x2d5: {  	s19 =	sadd.s32 $0x1800, s17;
	s20 =	sadd.s32 $0x1A0, s16  }
0x2d6: {  	[hbm4b:s20+s3] =	stream.linear.scatter [tilespmem:s19], [sflag:$0x2], $0x80, $0x38;
	[tilespmem:$0x10080] =	vst v63  }
0x2d7: {  	s19 =	sadd.s32 $0x2000, s17;
	s20 =	sadd.s32 $0x1B0, s16  }
0x2d8: {  	[hbm4b:s20+s3] =	stream.linear.scatter [tilespmem:s19], [sflag:$0x2], $0x80, $0x38;
	[tilespmem:$0x10080] =	vst v63  }
0x2d9: {  	s19 =	sadd.s32 $0x2800, s17;
	s20 =	sadd.s32 $0x1C0, s16  }
0x2da: {  	[hbm4b:s20+s3] =	stream.linear.scatter [tilespmem:s19], [sflag:$0x2], $0x80, $0x38;
	[tilespmem:$0x10080] =	vst v63  }
.Ltmp3:
0x2db: {  	s19 =	sadd.s32 $0x3000, s17;
	s20 =	sadd.s32 $0x1D0, s16;
	(pc) =	sbr.rel @p0 .LBB2_8-.Ltmp3, $4  }
0x2dc: {  	[hbm4b:s20+s3] =	stream.linear.scatter [tilespmem:s19], [sflag:$0x2], $0x80, $0x38;
	[tilespmem:$0x10080] =	vst v63  }
0x2dd: {  	s19 =	sadd.s32 $0x3800, s17;
	s20 =	sadd.s32 $0x1E0, s16;
	s17 =	sadd.s32 $0x4000, s17  }
0x2de: {  	[hbm4b:s20+s3] =	stream.linear.scatter [tilespmem:s19], [sflag:$0x2], $0x80, $0x38;
	[tilespmem:$0x10080] =	vst v63  }
0x2df: {  	s20 =	sadd.s32 $0x1F0, s16;
	s16 =	sadd.s32 $0x200, s16;
	s19 =	smov.u32 s18  }
0x2e0: {  	[hbm4b:s20+s3] =	stream.linear.scatter [tilespmem:s17], [sflag:$0x2], $0x80, $0x38;
	[tilespmem:$0x10080] =	vst v63  }
0x2e1: {  	s30 =	sadd.s32 $0x200, s15  }
0x2e2: {  	[hbm4b:s16+s3] =	stream.linear.scatter [tilespmem:s30], [sflag:$0x2], $0x80, $0x38;
	[tilespmem:$0x10080] =	vst v63  }
0x2e3: {  	s31 =	sadd.s32 $0xA00, s15;
	s18 =	sadd.s32 $0x10, s16  }
0x2e4: {  	[hbm4b:s18+s3] =	stream.linear.scatter [tilespmem:s31], [sflag:$0x2], $0x80, $0x38;
	[tilespmem:$0x10080] =	vst v63  }
0x2e5: {  	s19 =	sadd.s32 $0x1200, s15;
	s20 =	sadd.s32 $0x20, s16  }
0x2e6: {  	[hbm4b:s20+s3] =	stream.linear.scatter [tilespmem:s19], [sflag:$0x2], $0x80, $0x38;
	[tilespmem:$0x10080] =	vst v63  }
0x2e7: {  	s21 =	sadd.s32 $0x1A00, s15;
	s22 =	sadd.s32 $0x30, s16  }
0x2e8: {  	[hbm4b:s22+s3] =	stream.linear.scatter [tilespmem:s21], [sflag:$0x2], $0x80, $0x38;
	[tilespmem:$0x10080] =	vst v63  }
0x2e9: {  	s23 =	sadd.s32 $0x2200, s15;
	s24 =	sadd.s32 $0x40, s16  }
0x2ea: {  	[hbm4b:s24+s3] =	stream.linear.scatter [tilespmem:s23], [sflag:$0x2], $0x80, $0x38;
	[tilespmem:$0x10080] =	vst v63  }
0x2eb: {  	s25 =	sadd.s32 $0x2A00, s15;
	s26 =	sadd.s32 $0x50, s16  }
0x2ec: {  	[hbm4b:s26+s3] =	stream.linear.scatter [tilespmem:s25], [sflag:$0x2], $0x80, $0x38;
	[tilespmem:$0x10080] =	vst v63  }
0x2ed: {  	s28 =	sadd.s32 $0x3200, s15;
	s29 =	sadd.s32 $0x60, s16  }
0x2ee: {  	[hbm4b:s29+s3] =	stream.linear.scatter [tilespmem:s28], [sflag:$0x2], $0x80, $0x38;
	[tilespmem:$0x10080] =	vst v63  }
0x2ef: {  	s30 =	sadd.s32 $0x3A00, s15;
	s31 =	sadd.s32 $0x70, s16  }
0x2f0: {  	[hbm4b:s31+s3] =	stream.linear.scatter [tilespmem:s30], [sflag:$0x2], $0x80, $0x38;
	[tilespmem:$0x10080] =	vst v63  }
0x2f1: {  	s19 =	sadd.s32 $0x400, s15;
	s20 =	sadd.s32 $0x80, s16  }
0x2f2: {  	[hbm4b:s20+s3] =	stream.linear.scatter [tilespmem:s19], [sflag:$0x2], $0x80, $0x38;
	[tilespmem:$0x10080] =	vst v63  }
0x2f3: {  	s21 =	sadd.s32 $0xC00, s15;
	s22 =	sadd.s32 $0x90, s16  }
0x2f4: {  	[hbm4b:s22+s3] =	stream.linear.scatter [tilespmem:s21], [sflag:$0x2], $0x80, $0x38;
	[tilespmem:$0x10080] =	vst v63  }
0x2f5: {  	s23 =	sadd.s32 $0x1400, s15;
	s24 =	sadd.s32 $0xA0, s16  }
0x2f6: {  	[hbm4b:s24+s3] =	stream.linear.scatter [tilespmem:s23], [sflag:$0x2], $0x80, $0x38;
	[tilespmem:$0x10080] =	vst v63  }
0x2f7: {  	s25 =	sadd.s32 $0x1C00, s15;
	s26 =	sadd.s32 $0xB0, s16  }
0x2f8: {  	[hbm4b:s26+s3] =	stream.linear.scatter [tilespmem:s25], [sflag:$0x2], $0x80, $0x38;
	[tilespmem:$0x10080] =	vst v63  }
0x2f9: {  	s28 =	sadd.s32 $0x2400, s15;
	s29 =	sadd.s32 $0xC0, s16  }
0x2fa: {  	[hbm4b:s29+s3] =	stream.linear.scatter [tilespmem:s28], [sflag:$0x2], $0x80, $0x38;
	[tilespmem:$0x10080] =	vst v63  }
0x2fb: {  	s30 =	sadd.s32 $0x2C00, s15;
	s31 =	sadd.s32 $0xD0, s16  }
0x2fc: {  	[hbm4b:s31+s3] =	stream.linear.scatter [tilespmem:s30], [sflag:$0x2], $0x80, $0x38;
	[tilespmem:$0x10080] =	vst v63  }
0x2fd: {  	s19 =	sadd.s32 $0x3400, s15;
	s20 =	sadd.s32 $0xE0, s16  }
0x2fe: {  	[hbm4b:s20+s3] =	stream.linear.scatter [tilespmem:s19], [sflag:$0x2], $0x80, $0x38;
	[tilespmem:$0x10080] =	vst v63  }
0x2ff: {  	s21 =	sadd.s32 $0x3C00, s15;
	s22 =	sadd.s32 $0xF0, s16  }
0x300: {  	[hbm4b:s22+s3] =	stream.linear.scatter [tilespmem:s21], [sflag:$0x2], $0x80, $0x38;
	[tilespmem:$0x10080] =	vst v63  }
0x301: {  	s23 =	sadd.s32 $0x600, s15;
	s24 =	sadd.s32 $0x100, s16  }
0x302: {  	[hbm4b:s24+s3] =	stream.linear.scatter [tilespmem:s23], [sflag:$0x2], $0x80, $0x38;
	[tilespmem:$0x10080] =	vst v63  }
0x303: {  	s25 =	sadd.s32 $0xE00, s15;
	s26 =	sadd.s32 $0x110, s16  }
0x304: {  	[hbm4b:s26+s3] =	stream.linear.scatter [tilespmem:s25], [sflag:$0x2], $0x80, $0x38;
	[tilespmem:$0x10080] =	vst v63  }
0x305: {  	s28 =	sadd.s32 $0x1600, s15;
	s29 =	sadd.s32 $0x120, s16  }
0x306: {  	[hbm4b:s29+s3] =	stream.linear.scatter [tilespmem:s28], [sflag:$0x2], $0x80, $0x38;
	[tilespmem:$0x10080] =	vst v63  }
0x307: {  	s30 =	sadd.s32 $0x1E00, s15;
	s31 =	sadd.s32 $0x130, s16  }
0x308: {  	[hbm4b:s31+s3] =	stream.linear.scatter [tilespmem:s30], [sflag:$0x2], $0x80, $0x38;
	[tilespmem:$0x10080] =	vst v63  }
0x309: {  	s19 =	sadd.s32 $0x2600, s15;
	s20 =	sadd.s32 $0x140, s16  }
0x30a: {  	[hbm4b:s20+s3] =	stream.linear.scatter [tilespmem:s19], [sflag:$0x2], $0x80, $0x38;
	[tilespmem:$0x10080] =	vst v63  }
0x30b: {  	s21 =	sadd.s32 $0x2E00, s15;
	s22 =	sadd.s32 $0x150, s16  }
0x30c: {  	[hbm4b:s22+s3] =	stream.linear.scatter [tilespmem:s21], [sflag:$0x2], $0x80, $0x38;
	[tilespmem:$0x10080] =	vst v63  }
0x30d: {  	s23 =	sadd.s32 $0x3600, s15;
	s24 =	sadd.s32 $0x160, s16  }
0x30e: {  	[hbm4b:s24+s3] =	stream.linear.scatter [tilespmem:s23], [sflag:$0x2], $0x80, $0x38;
	[tilespmem:$0x10080] =	vst v63  }
0x30f: {  	s25 =	sadd.s32 $0x3E00, s15;
	s26 =	sadd.s32 $0x170, s16  }
0x310: {  	[hbm4b:s26+s3] =	stream.linear.scatter [tilespmem:s25], [sflag:$0x2], $0x80, $0x38;
	[tilespmem:$0x10080] =	vst v63  }
0x311: {  	s28 =	sadd.s32 $0x800, s15;
	s29 =	sadd.s32 $0x180, s16  }
0x312: {  	[hbm4b:s29+s3] =	stream.linear.scatter [tilespmem:s28], [sflag:$0x2], $0x80, $0x38;
	[tilespmem:$0x10080] =	vst v63  }
0x313: {  	s30 =	sadd.s32 $0x1000, s15;
	s31 =	sadd.s32 $0x190, s16  }
0x314: {  	[hbm4b:s31+s3] =	stream.linear.scatter [tilespmem:s30], [sflag:$0x2], $0x80, $0x38;
	[tilespmem:$0x10080] =	vst v63  }
0x315: {  	s19 =	sadd.s32 $0x1800, s15;
	s20 =	sadd.s32 $0x1A0, s16  }
0x316: {  	[hbm4b:s20+s3] =	stream.linear.scatter [tilespmem:s19], [sflag:$0x2], $0x80, $0x38;
	[tilespmem:$0x10080] =	vst v63  }
0x317: {  	s21 =	sadd.s32 $0x2000, s15;
	s22 =	sadd.s32 $0x1B0, s16  }
0x318: {  	[hbm4b:s22+s3] =	stream.linear.scatter [tilespmem:s21], [sflag:$0x2], $0x80, $0x38;
	[tilespmem:$0x10080] =	vst v63  }
0x319: {  	s23 =	sadd.s32 $0x2800, s15;
	s24 =	sadd.s32 $0x1C0, s16  }
0x31a: {  	[hbm4b:s24+s3] =	stream.linear.scatter [tilespmem:s23], [sflag:$0x2], $0x80, $0x38;
	[tilespmem:$0x10080] =	vst v63  }
0x31b: {  	s14 =	sadd.s32 $0x1, s14;
	s25 =	sadd.s32 $0x3000, s15;
	s26 =	sadd.s32 $0x1D0, s16  }
0x31c: {  	[hbm4b:s26+s3] =	stream.linear.scatter [tilespmem:s25], [sflag:$0x2], $0x80, $0x38;
	[tilespmem:$0x10080] =	vst v63  }
0x31d: {  	p0 =	sne.s32 s14, s9;
	s28 =	sadd.s32 $0x3800, s15;
	s29 =	sadd.s32 $0x1E0, s16  }
0x31e: {  	[hbm4b:s29+s3] =	stream.linear.scatter [tilespmem:s28], [sflag:$0x2], $0x80, $0x38;
	[tilespmem:$0x10080] =	vst v63  }
.Ltmp4:
0x31f: {  	s30 =	sadd.s32 $0x4000, s15;
	s31 =	sadd.s32 $0x1F0, s16;
	(pc) =	sbr.rel @p0 .LBB2_1-.Ltmp4, $4  }
0x320: {  	[hbm4b:s31+s3] =	stream.linear.scatter [tilespmem:s30], [sflag:$0x2], $0x80, $0x38;
	[tilespmem:$0x10080] =	vst v63  }
0x321: {  	_ =	swait.ge [sflag:s10], $0x4000  }
0x322: {  	[sflag:s10] =	ssyncset.done $0x0  }
0x323: {  	[sflag:s10] =	ssyncadd.s32 $0xFFFFC000  }
0x324: {  	_ =	sfence.sel $0x180000  }
0x325: {  	[bflag:$0x0] =	sbarrier.arrive $0xFFFF  }
0x326: {  	p0 =	sne.s32 s1, $0x0;
	_ =	strace $0x90000047  }
0x327: {  	s0 =	sadd.s32 @!p0 $0x100000, s0;
	[bflag:$0x2] =	sbarrier.arrive $0xFFFF  }
0x328: {  	[sflag:s0] =	ssyncadd.tile.s32 @!p0 $0x1;
	_ =	shalt  }
.Lfunc_end2:
_tile_overlayer_lowered:
.L_overlay_start_2:
0x329: {  	(tag) =	ssettag $0x2  }
0x32a: {  	s0 =	rddreg [dreg:$0x0];
	s2 =	stileid.u32  }
0x32b: {  	s1 =	rddreg [dreg:$0x1];
	p0 =	sne.s32 s2, $0x0  }
0x32c: {  	s3 =	rddreg [dreg:$0x2];
	[bflag:$0x3] =	sbarrier.arrive $0xFFFF;
	s2 =	simm.s32 @!p0 $0x1C02  }
0x32d: {  	[timem:s3], [sflag:s2] =	dma.local @!p0 [hbm:s0], s1  }
0x32e: {  	s0 =	simm.s32 @!p0 $0x2  }
0x32f: {  	_ =	swait.ge @!p0 [sflag:s0], s1  }
0x330: {  	s1 =	ssub.s32 @!p0 $0x0, s1;
	[sflag:s0] =	ssyncset.done @!p0 $0x0  }
0x331: {  	[sflag:s0] =	ssyncadd.s32 @!p0 s1  }
0x332: {  	[bflag:$0x3] =	sbarrier.arrive $0xFFFF  }
0x333: {  	_ =	shalt  }

</sc_bundles>
